<compile_context>
chip_gen: v7x
topology: tpu7x:2x2x1
jax: 0.10.2.dev20260603
libtpu: 0.0.44.dev20260713+nightly
codegen_flags: <defaults>
</compile_context>

<pallas_src>
import functools

import jax
import jax.numpy as jnp
from jax import lax
from jax.experimental import pallas as pl
from jax.experimental.pallas import tpu as pltpu
from jax.experimental.pallas import tpu_sc as plsc

R_CUT = 5.0
KE = 14.399645351950548

NC = 2
NS = 16
NW = NC * NS
L = 16

NTAB = 384
H = 40.0 / NTAB


def _sc_edge_sum(num_nodes, num_types, num_edges, ew, chunk):
    nvec = chunk // L
    nchunk = ew // chunk
    assert nchunk % 2 == 0
    npair = num_types * num_types
    p3 = -10.0 / R_CUT**3
    p4 = 15.0 / R_CUT**4
    p5 = -6.0 / R_CUT**5
    clamp = float(NTAB) - 1.001
    mesh = plsc.VectorSubcoreMesh(
        core_axis_name="c", subcore_axis_name="s",
        num_cores=NC, num_subcores=NS)

    @functools.partial(
        pl.kernel,
        mesh=mesh,
        compiler_params=pltpu.CompilerParams(needs_layout_passes=False),
        out_type=jax.ShapeDtypeStruct((NW, L), jnp.float32),
        scratch_types=[
            pltpu.VMEM((num_nodes,), jnp.int32),
            pltpu.VMEM((npair,), jnp.float32),
            pltpu.VMEM((npair,), jnp.float32),
            pltpu.VMEM((NTAB,), jnp.float32),
            pltpu.VMEM((chunk,), jnp.int32),
            pltpu.VMEM((chunk,), jnp.int32),
            pltpu.VMEM((chunk,), jnp.float32),
            pltpu.VMEM((chunk,), jnp.int32),
            pltpu.VMEM((chunk,), jnp.int32),
            pltpu.VMEM((chunk,), jnp.float32),
            pltpu.VMEM((L,), jnp.float32),
            pltpu.SemaphoreType.DMA,
            pltpu.SemaphoreType.DMA,
        ],
    )
    def edge_sum(ei_hbm, dd_hbm, nt_hbm, tab_hbm,
                 out_hbm, nt_v, zz_v, aa_v, sa_v,
                 bi0, bj0, bd0, bi1, bj1, bd1, acc_v, sem0, sem1):
        bi = (bi0, bi1)
        bj = (bj0, bj1)
        bd = (bd0, bd1)
        sem = (sem0, sem1)
        wid = lax.axis_index("s") * NC + lax.axis_index("c")
        base = wid * ew

        def start(g, b):
            off = base + g * chunk
            pltpu.async_copy(ei_hbm.at[pl.ds(off, chunk)], bi[b], sem[b])
            pltpu.async_copy(
                ei_hbm.at[pl.ds(num_edges + off, chunk)], bj[b], sem[b])
            pltpu.async_copy(dd_hbm.at[pl.ds(off, chunk)], bd[b], sem[b])

        def wait(b):
            pltpu.make_async_copy(ei_hbm.at[pl.ds(0, chunk)], bi[b], sem[b]).wait()
            pltpu.make_async_copy(ei_hbm.at[pl.ds(0, chunk)], bj[b], sem[b]).wait()
            pltpu.make_async_copy(dd_hbm.at[pl.ds(0, chunk)], bd[b], sem[b]).wait()

        start(0, 0)
        start(1, 1)
        npad = (npair + 7) // 8 * 8
        pltpu.sync_copy(nt_hbm, nt_v)
        pltpu.sync_copy(tab_hbm.at[pl.ds(0, npair)], zz_v)
        pltpu.sync_copy(tab_hbm.at[pl.ds(npad, npair)], aa_v)
        pltpu.sync_copy(tab_hbm.at[pl.ds(2 * npad, NTAB)], sa_v)

        def make_vec_body(bi_b, bj_b, bd_b):
            def vec_body(k, acc):
                s = pl.ds(k * L, L)
                ii = bi_b[s]
                jj = bj_b[s]
                d = bd_b[s]
                ti = plsc.load_gather(nt_v, [ii])
                tj = plsc.load_gather(nt_v, [jj])
                pidx = ti * num_types + tj
                zz = plsc.load_gather(zz_v, [pidx])
                av = plsc.load_gather(aa_v, [pidx])
                ku = jnp.minimum(av * d, clamp).astype(jnp.int32)
                scr = plsc.load_gather(sa_v, [ku])
                g = 1.0 / d + (d * d) * (p3 + d * (p4 + d * p5))
                g = jnp.where(d <= R_CUT, g, 0.0)
                return acc + zz * scr * g

            return vec_body

        def pair_body(p, acc):
            g0 = p * 2
            for b in range(2):
                g = g0 + b
                wait(b)
                acc = lax.fori_loop(
                    0, nvec, make_vec_body(bi[b], bj[b], bd[b]), acc)

                @pl.when(g + 2 < nchunk)
                def _():
                    start(g + 2, b)

            return acc

        acc = lax.fori_loop(0, nchunk // 2, pair_body,
                            jnp.zeros((L,), jnp.float32))
        acc_v[...] = acc
        pltpu.sync_copy(acc_v, out_hbm.at[wid])

    return edge_sum


def kernel(node_type, edge_index, bond_dist, z_table, a_pow, a_div,
           exponents, coefficients):
    num_nodes = node_type.shape[0]
    num_edges = bond_dist.shape[0]
    num_types = z_table.shape[0]
    assert num_edges % NW == 0
    ew = num_edges // NW
    chunk = 2000
    assert ew % chunk == 0 and chunk % L == 0 and chunk % 8 == 0

    sp = jax.nn.softplus
    p = sp(a_pow)[0]
    ad = sp(a_div)[0]
    e = sp(exponents)
    c = sp(coefficients)
    c = c / jnp.sum(jnp.abs(c))
    a = z_table ** p
    zz = (0.5 * KE) * (z_table[:, None] * z_table[None, :])
    aa = (ad / H) * (a[:, None] + a[None, :])
    ug = (jnp.arange(NTAB, dtype=jnp.float32) + 0.5) * H
    eu = jnp.exp(-ug[:, None] * e[None, :])
    stab = jnp.sum(c[None, :] * eu, axis=1)
    stab = stab + (H * H / 24.0) * jnp.sum(
        c[None, :] * e[None, :] ** 2 * eu, axis=1)
    pad = jnp.zeros(((num_types * num_types + 7) // 8 * 8
                     - num_types * num_types,), jnp.float32)
    tables = jnp.concatenate([zz.reshape(-1), pad, aa.reshape(-1), pad, stab])

    partials = _sc_edge_sum(num_nodes, num_types, num_edges, ew, chunk)(
        edge_index.reshape(-1), bond_dist, node_type, tables)
    return jnp.sum(partials)

# --- scband reference (transcript-rebuilt; emitter-appended) ---
"""Pipeline reference for scband-nuclear-repulsion-3736621547658 (READ-ONLY COPY).

The authoritative reference and input builder live on the scoring server;
editing this copy changes nothing except your own understanding.
"""

import jax, jax.numpy as jnp
import numpy as np

R_CUT = 5.0
A0 = 0.5291772105638411
KE = 14.399645351950548


def softplus_inverse(x):
    # inverse of softplus: log(exp(x) - 1)
    return np.log(np.expm1(x))


def polynomial_cutoff(r, cutoff):
    ratio = r / cutoff
    poly = 1.0 - 6.0 * ratio ** 5 + 15.0 * ratio ** 4 - 10.0 * ratio ** 3
    return jnp.where(r <= cutoff, poly, 0.0)


def setup_inputs(seed: int = 0) -> dict:
    key = jax.random.key(seed)
    k1, k2, k3 = jax.random.split(key, 3)
    N = 100000
    E = 6400000
    node_type = jax.random.randint(k1, (N,), 0, 94, dtype=jnp.int32)
    edge_index = jax.random.randint(k2, (2, E), 0, N, dtype=jnp.int32)
    # bond distances: positive, mostly inside cutoff, some outside
    bond_dist = jax.random.uniform(k3, (E,), dtype=jnp.float32, minval=0.2, maxval=5.5)
    # atomic numbers for the element_types tuple (1..94)
    z_table = jnp.arange(1, 95, dtype=jnp.float32)
    # buffers / parameters (raw, softplus applied in forward)
    a_pow = jnp.asarray(softplus_inverse(np.array([0.23], dtype=np.float32)))
    a_div = jnp.asarray(softplus_inverse(np.array([1.0 / (A0 * 0.8854)], dtype=np.float32)))
    exponents = jnp.asarray(softplus_inverse(np.array([3.1998, 0.94229, 0.4029, 0.20162], dtype=np.float32)))
    coefficients = jnp.asarray(softplus_inverse(np.array([0.18175, 0.50986, 0.28022, 0.02817], dtype=np.float32)))
    return {
        "node_type": node_type,
        "edge_index": edge_index,
        "bond_dist": bond_dist,
        "z_table": z_table,
        "a_pow": a_pow,
        "a_div": a_div,
        "exponents": exponents,
        "coefficients": coefficients,
    }


def reference(node_type, edge_index, bond_dist, z_table, a_pow, a_div, exponents, coefficients):
    sp = jax.nn.softplus
    N = z_table.shape[0] and node_type.shape[0]
    z = jnp.take(z_table, node_type, axis=0)                      # [N]
    idx_i = edge_index[0]
    idx_j = edge_index[1]
    a = z ** sp(a_pow)                                            # [N] (a_pow shape [1] broadcasts)
    a_ij = (jnp.take(a, idx_i) + jnp.take(a, idx_j)) * sp(a_div)  # [E]
    exps = a_ij[:, None] * sp(exponents)[None, :]                 # [E, 4]
    coef = sp(coefficients)                                       # [4]
    coef = coef / jnp.sum(jnp.abs(coef))                          # L1 normalize
    screening = jnp.sum(coef[None, :] * jnp.exp(-exps * bond_dist[:, None]), axis=1)  # [E]
    z_i = jnp.take(z, idx_i)
    z_j = jnp.take(z, idx_j)
    eij_repuls = z_i * z_j * polynomial_cutoff(bond_dist, R_CUT) * screening / bond_dist  # [E]
    # copy_e -> sum at destination nodes
    e_repuls = jax.ops.segment_sum(eij_repuls, idx_j, num_segments=node_type.shape[0])
    # readout over the (single) graph
    energy = 0.5 * KE * jnp.sum(e_repuls)
    return jnp.squeeze(energy)

if __name__ == "__main__":
    import jax
    _d = setup_inputs()
    print(jax.jit(kernel)(*tuple(_d.values())))

</pallas_src>

<mosaic_0001>
#map = affine_map<(d0, d1) -> (0)>
#map1 = affine_map<(d0, d1) -> (0, 0)>
module attributes {stable_mosaic.version = 14 : i64} {
  func.func @edge_sum(%arg0: i32, %arg1: i32, %arg2: memref<12800000xi32, #tpu.memory_space<hbm>>, %arg3: memref<6400000xf32, #tpu.memory_space<hbm>>, %arg4: memref<100000xi32, #tpu.memory_space<hbm>>, %arg5: memref<18064xf32, #tpu.memory_space<hbm>>, %arg6: memref<32x16xf32, #tpu.memory_space<hbm>>, %arg7: memref<100000xi32, #tpu.memory_space<vmem>>, %arg8: memref<8836xf32, #tpu.memory_space<vmem>>, %arg9: memref<8836xf32, #tpu.memory_space<vmem>>, %arg10: memref<384xf32, #tpu.memory_space<vmem>>, %arg11: memref<2000xi32, #tpu.memory_space<vmem>>, %arg12: memref<2000xi32, #tpu.memory_space<vmem>>, %arg13: memref<2000xf32, #tpu.memory_space<vmem>>, %arg14: memref<2000xi32, #tpu.memory_space<vmem>>, %arg15: memref<2000xi32, #tpu.memory_space<vmem>>, %arg16: memref<2000xf32, #tpu.memory_space<vmem>>, %arg17: memref<16xf32, #tpu.memory_space<vmem>>, %arg18: memref<!tpu.dma_semaphore, #tpu.memory_space<semaphore_mem>>, %arg19: memref<!tpu.dma_semaphore, #tpu.memory_space<semaphore_mem>>) attributes {dimension_semantics = [#tpu.dimension_semantics<core_parallel>, #tpu.dimension_semantics<subcore_parallel>], iteration_bounds = array<i64: 2, 16>, scalar_prefetch = 0 : i64, scratch_operands = 13 : i64, tpu.core_type = #tpu.core_type<sc_vector_subcore>, window_params = [{transform_indices = #map}, {transform_indices = #map}, {transform_indices = #map}, {transform_indices = #map}, {transform_indices = #map1}]} {
    %mul3A = arith.constant 2 : i32
    %mul3A_0 = arith.muli %arg1, %mul3A : i32
    %add3A = arith.addi %mul3A_0, %arg0 : i32
    %mul3A_1 = arith.constant 200000 : i32
    %mul3A_2 = arith.muli %add3A, %mul3A_1 : i32
    %add3A_3 = arith.constant 0 : i32
    %add3A_4 = arith.addi %mul3A_2, %add3A_3 : i32
    %dma_start3A = tpu.memref_slice %arg2[%add3A_4] : memref<12800000xi32, #tpu.memory_space<hbm>> -> memref<2000xi32, #tpu.memory_space<hbm>>
    %dma_start3A_5 = tpu.memref_slice %arg2[%add3A_4] : memref<12800000xi32, #tpu.memory_space<hbm>> -> memref<2000xi32, #tpu.memory_space<hbm>>
    tpu.enqueue_dma source(%dma_start3A_5 : memref<2000xi32, #tpu.memory_space<hbm>>) target(%arg11 : memref<2000xi32, #tpu.memory_space<vmem>>) target_semaphore(%arg18 : memref<!tpu.dma_semaphore, #tpu.memory_space<semaphore_mem>>)
    %add3A_6 = arith.constant 6400000 : i32
    %add3A_7 = arith.addi %add3A_6, %add3A_4 : i32
    %dma_start3A_8 = tpu.memref_slice %arg2[%add3A_7] : memref<12800000xi32, #tpu.memory_space<hbm>> -> memref<2000xi32, #tpu.memory_space<hbm>>
    %dma_start3A_9 = tpu.memref_slice %arg2[%add3A_7] : memref<12800000xi32, #tpu.memory_space<hbm>> -> memref<2000xi32, #tpu.memory_space<hbm>>
    tpu.enqueue_dma source(%dma_start3A_9 : memref<2000xi32, #tpu.memory_space<hbm>>) target(%arg12 : memref<2000xi32, #tpu.memory_space<vmem>>) target_semaphore(%arg18 : memref<!tpu.dma_semaphore, #tpu.memory_space<semaphore_mem>>)
    %dma_start3A_10 = tpu.memref_slice %arg3[%add3A_4] : memref<6400000xf32, #tpu.memory_space<hbm>> -> memref<2000xf32, #tpu.memory_space<hbm>>
    %dma_start3A_11 = tpu.memref_slice %arg3[%add3A_4] : memref<6400000xf32, #tpu.memory_space<hbm>> -> memref<2000xf32, #tpu.memory_space<hbm>>
    tpu.enqueue_dma source(%dma_start3A_11 : memref<2000xf32, #tpu.memory_space<hbm>>) target(%arg13 : memref<2000xf32, #tpu.memory_space<vmem>>) target_semaphore(%arg18 : memref<!tpu.dma_semaphore, #tpu.memory_space<semaphore_mem>>)
    %add3A_12 = arith.constant 2000 : i32
    %add3A_13 = arith.addi %mul3A_2, %add3A_12 : i32
    %dma_start3A_14 = tpu.memref_slice %arg2[%add3A_13] : memref<12800000xi32, #tpu.memory_space<hbm>> -> memref<2000xi32, #tpu.memory_space<hbm>>
    %dma_start3A_15 = tpu.memref_slice %arg2[%add3A_13] : memref<12800000xi32, #tpu.memory_space<hbm>> -> memref<2000xi32, #tpu.memory_space<hbm>>
    tpu.enqueue_dma source(%dma_start3A_15 : memref<2000xi32, #tpu.memory_space<hbm>>) target(%arg14 : memref<2000xi32, #tpu.memory_space<vmem>>) target_semaphore(%arg19 : memref<!tpu.dma_semaphore, #tpu.memory_space<semaphore_mem>>)
    %add3A_16 = arith.constant 6400000 : i32
    %add3A_17 = arith.addi %add3A_16, %add3A_13 : i32
    %dma_start3A_18 = tpu.memref_slice %arg2[%add3A_17] : memref<12800000xi32, #tpu.memory_space<hbm>> -> memref<2000xi32, #tpu.memory_space<hbm>>
    %dma_start3A_19 = tpu.memref_slice %arg2[%add3A_17] : memref<12800000xi32, #tpu.memory_space<hbm>> -> memref<2000xi32, #tpu.memory_space<hbm>>
    tpu.enqueue_dma source(%dma_start3A_19 : memref<2000xi32, #tpu.memory_space<hbm>>) target(%arg15 : memref<2000xi32, #tpu.memory_space<vmem>>) target_semaphore(%arg19 : memref<!tpu.dma_semaphore, #tpu.memory_space<semaphore_mem>>)
    %dma_start3A_20 = tpu.memref_slice %arg3[%add3A_13] : memref<6400000xf32, #tpu.memory_space<hbm>> -> memref<2000xf32, #tpu.memory_space<hbm>>
    %dma_start3A_21 = tpu.memref_slice %arg3[%add3A_13] : memref<6400000xf32, #tpu.memory_space<hbm>> -> memref<2000xf32, #tpu.memory_space<hbm>>
    tpu.enqueue_dma source(%dma_start3A_21 : memref<2000xf32, #tpu.memory_space<hbm>>) target(%arg16 : memref<2000xf32, #tpu.memory_space<vmem>>) target_semaphore(%arg19 : memref<!tpu.dma_semaphore, #tpu.memory_space<semaphore_mem>>)
    "tpu.region"() ({
      %run_scoped3A = tpu.sem_alloc : memref<!tpu.dma_semaphore, #tpu.memory_space<semaphore_mem>>
      tpu.enqueue_dma source(%arg4 : memref<100000xi32, #tpu.memory_space<hbm>>) target(%arg7 : memref<100000xi32, #tpu.memory_space<vmem>>) target_semaphore(%run_scoped3A : memref<!tpu.dma_semaphore, #tpu.memory_space<semaphore_mem>>)
      tpu.wait_dma2 semaphore(%run_scoped3A : memref<!tpu.dma_semaphore, #tpu.memory_space<semaphore_mem>>) src(%arg4 : memref<100000xi32, #tpu.memory_space<hbm>>) dst(%arg7 : memref<100000xi32, #tpu.memory_space<vmem>>)
      tpu.yield
    }) : () -> ()
    "tpu.region"() ({
      %run_scoped3A = tpu.sem_alloc : memref<!tpu.dma_semaphore, #tpu.memory_space<semaphore_mem>>
      %dma_start3A_29 = arith.constant 0 : i32
      %dma_start3A_30 = tpu.memref_slice %arg5[%dma_start3A_29] : memref<18064xf32, #tpu.memory_space<hbm>> -> memref<8836xf32, #tpu.memory_space<hbm>>
      %dma_start3A_31 = arith.constant 0 : i32
      %dma_start3A_32 = tpu.memref_slice %arg5[%dma_start3A_31] : memref<18064xf32, #tpu.memory_space<hbm>> -> memref<8836xf32, #tpu.memory_space<hbm>>
      tpu.enqueue_dma source(%dma_start3A_32 : memref<8836xf32, #tpu.memory_space<hbm>>) target(%arg8 : memref<8836xf32, #tpu.memory_space<vmem>>) target_semaphore(%run_scoped3A : memref<!tpu.dma_semaphore, #tpu.memory_space<semaphore_mem>>)
      %dma_wait3A = arith.constant 0 : i32
      %dma_wait3A_33 = tpu.memref_slice %arg5[%dma_wait3A] : memref<18064xf32, #tpu.memory_space<hbm>> -> memref<8836xf32, #tpu.memory_space<hbm>>
      %dma_wait3A_34 = arith.constant 0 : i32
      %dma_wait3A_35 = tpu.memref_slice %arg5[%dma_wait3A_34] : memref<18064xf32, #tpu.memory_space<hbm>> -> memref<8836xf32, #tpu.memory_space<hbm>>
      tpu.wait_dma2 semaphore(%run_scoped3A : memref<!tpu.dma_semaphore, #tpu.memory_space<semaphore_mem>>) src(%dma_wait3A_35 : memref<8836xf32, #tpu.memory_space<hbm>>) dst(%arg8 : memref<8836xf32, #tpu.memory_space<vmem>>)
      tpu.yield
    }) : () -> ()
    "tpu.region"() ({
      %run_scoped3A = tpu.sem_alloc : memref<!tpu.dma_semaphore, #tpu.memory_space<semaphore_mem>>
      %dma_start3A_29 = arith.constant 8840 : i32
      %dma_start3A_30 = tpu.memref_slice %arg5[%dma_start3A_29] : memref<18064xf32, #tpu.memory_space<hbm>> -> memref<8836xf32, #tpu.memory_space<hbm>>
      %dma_start3A_31 = arith.constant 8840 : i32
      %dma_start3A_32 = tpu.memref_slice %arg5[%dma_start3A_31] : memref<18064xf32, #tpu.memory_space<hbm>> -> memref<8836xf32, #tpu.memory_space<hbm>>
      tpu.enqueue_dma source(%dma_start3A_32 : memref<8836xf32, #tpu.memory_space<hbm>>) target(%arg9 : memref<8836xf32, #tpu.memory_space<vmem>>) target_semaphore(%run_scoped3A : memref<!tpu.dma_semaphore, #tpu.memory_space<semaphore_mem>>)
      %dma_wait3A = arith.constant 8840 : i32
      %dma_wait3A_33 = tpu.memref_slice %arg5[%dma_wait3A] : memref<18064xf32, #tpu.memory_space<hbm>> -> memref<8836xf32, #tpu.memory_space<hbm>>
      %dma_wait3A_34 = arith.constant 8840 : i32
      %dma_wait3A_35 = tpu.memref_slice %arg5[%dma_wait3A_34] : memref<18064xf32, #tpu.memory_space<hbm>> -> memref<8836xf32, #tpu.memory_space<hbm>>
      tpu.wait_dma2 semaphore(%run_scoped3A : memref<!tpu.dma_semaphore, #tpu.memory_space<semaphore_mem>>) src(%dma_wait3A_35 : memref<8836xf32, #tpu.memory_space<hbm>>) dst(%arg9 : memref<8836xf32, #tpu.memory_space<vmem>>)
      tpu.yield
    }) : () -> ()
    "tpu.region"() ({
      %run_scoped3A = tpu.sem_alloc : memref<!tpu.dma_semaphore, #tpu.memory_space<semaphore_mem>>
      %dma_start3A_29 = arith.constant 17680 : i32
      %dma_start3A_30 = tpu.memref_slice %arg5[%dma_start3A_29] : memref<18064xf32, #tpu.memory_space<hbm>> -> memref<384xf32, #tpu.memory_space<hbm>>
      %dma_start3A_31 = arith.constant 17680 : i32
      %dma_start3A_32 = tpu.memref_slice %arg5[%dma_start3A_31] : memref<18064xf32, #tpu.memory_space<hbm>> -> memref<384xf32, #tpu.memory_space<hbm>>
      tpu.enqueue_dma source(%dma_start3A_32 : memref<384xf32, #tpu.memory_space<hbm>>) target(%arg10 : memref<384xf32, #tpu.memory_space<vmem>>) target_semaphore(%run_scoped3A : memref<!tpu.dma_semaphore, #tpu.memory_space<semaphore_mem>>)
      %dma_wait3A = arith.constant 17680 : i32
      %dma_wait3A_33 = tpu.memref_slice %arg5[%dma_wait3A] : memref<18064xf32, #tpu.memory_space<hbm>> -> memref<384xf32, #tpu.memory_space<hbm>>
      %dma_wait3A_34 = arith.constant 17680 : i32
      %dma_wait3A_35 = tpu.memref_slice %arg5[%dma_wait3A_34] : memref<18064xf32, #tpu.memory_space<hbm>> -> memref<384xf32, #tpu.memory_space<hbm>>
      tpu.wait_dma2 semaphore(%run_scoped3A : memref<!tpu.dma_semaphore, #tpu.memory_space<semaphore_mem>>) src(%dma_wait3A_35 : memref<384xf32, #tpu.memory_space<hbm>>) dst(%arg10 : memref<384xf32, #tpu.memory_space<vmem>>)
      tpu.yield
    }) : () -> ()
    %broadcast_in_dim3A = arith.constant 0.000000e+00 : f32
    %broadcast_in_dim3A_22 = vector.broadcast %broadcast_in_dim3A : f32 to vector<16xf32>
    %scan3A = arith.constant 0 : i32
    %scan3A_23 = arith.constant 50 : i32
    %scan3A_24 = arith.addi %scan3A, %scan3A_23 : i32
    %scan3A_25 = arith.constant 1 : i32
    %scan3A_26 = scf.for %scan3A_29 = %scan3A to %scan3A_24 step %scan3A_25 iter_args(%scan3A_30 = %broadcast_in_dim3A_22) -> (vector<16xf32>)  : i32 {
      %mul3A_31 = arith.constant 2 : i32
      %mul3A_32 = arith.muli %scan3A_29, %mul3A_31 : i32
      %add3A_33 = arith.constant 0 : i32
      %add3A_34 = arith.addi %mul3A_32, %add3A_33 : i32
      %dma_wait3A = arith.constant 0 : i32
      %dma_wait3A_35 = tpu.memref_slice %arg2[%dma_wait3A] : memref<12800000xi32, #tpu.memory_space<hbm>> -> memref<2000xi32, #tpu.memory_space<hbm>>
      %dma_wait3A_36 = arith.constant 0 : i32
      %dma_wait3A_37 = tpu.memref_slice %arg2[%dma_wait3A_36] : memref<12800000xi32, #tpu.memory_space<hbm>> -> memref<2000xi32, #tpu.memory_space<hbm>>
      tpu.wait_dma2 semaphore(%arg18 : memref<!tpu.dma_semaphore, #tpu.memory_space<semaphore_mem>>) src(%dma_wait3A_37 : memref<2000xi32, #tpu.memory_space<hbm>>) dst(%arg11 : memref<2000xi32, #tpu.memory_space<vmem>>)
      %dma_wait3A_38 = arith.constant 0 : i32
      %dma_wait3A_39 = tpu.memref_slice %arg2[%dma_wait3A_38] : memref<12800000xi32, #tpu.memory_space<hbm>> -> memref<2000xi32, #tpu.memory_space<hbm>>
      %dma_wait3A_40 = arith.constant 0 : i32
      %dma_wait3A_41 = tpu.memref_slice %arg2[%dma_wait3A_40] : memref<12800000xi32, #tpu.memory_space<hbm>> -> memref<2000xi32, #tpu.memory_space<hbm>>
      tpu.wait_dma2 semaphore(%arg18 : memref<!tpu.dma_semaphore, #tpu.memory_space<semaphore_mem>>) src(%dma_wait3A_41 : memref<2000xi32, #tpu.memory_space<hbm>>) dst(%arg12 : memref<2000xi32, #tpu.memory_space<vmem>>)
      %dma_wait3A_42 = arith.constant 0 : i32
      %dma_wait3A_43 = tpu.memref_slice %arg3[%dma_wait3A_42] : memref<6400000xf32, #tpu.memory_space<hbm>> -> memref<2000xf32, #tpu.memory_space<hbm>>
      %dma_wait3A_44 = arith.constant 0 : i32
      %dma_wait3A_45 = tpu.memref_slice %arg3[%dma_wait3A_44] : memref<6400000xf32, #tpu.memory_space<hbm>> -> memref<2000xf32, #tpu.memory_space<hbm>>
      tpu.wait_dma2 semaphore(%arg18 : memref<!tpu.dma_semaphore, #tpu.memory_space<semaphore_mem>>) src(%dma_wait3A_45 : memref<2000xf32, #tpu.memory_space<hbm>>) dst(%arg13 : memref<2000xf32, #tpu.memory_space<vmem>>)
      %scan3A_46 = arith.constant 0 : i32
      %scan3A_47 = arith.constant 125 : i32
      %scan3A_48 = arith.addi %scan3A_46, %scan3A_47 : i32
      %scan3A_49 = arith.constant 1 : i32
      %scan3A_50 = scf.for %scan3A_83 = %scan3A_46 to %scan3A_48 step %scan3A_49 iter_args(%scan3A_84 = %scan3A_30) -> (vector<16xf32>)  : i32 {
        %mul3A_85 = arith.constant 16 : i32
        %mul3A_86 = arith.muli %scan3A_83, %mul3A_85 : i32
        %get3A = arith.index_cast %mul3A_86 : i32 to index
        %get3A_87 = tpu.vector_load %arg11[%get3A] {strides = array<i32>} : memref<2000xi32, #tpu.memory_space<vmem>>, vector<16xi32>,
        %get3A_88 = arith.index_cast %mul3A_86 : i32 to index
        %get3A_89 = tpu.vector_load %arg12[%get3A_88] {strides = array<i32>} : memref<2000xi32, #tpu.memory_space<vmem>>, vector<16xi32>,
        %get3A_90 = arith.index_cast %mul3A_86 : i32 to index
        %get3A_91 = tpu.vector_load %arg13[%get3A_90] {strides = array<i32>} : memref<2000xf32, #tpu.memory_space<vmem>>, vector<16xf32>,
        %gather3A = tpu.vector_load_idx %arg7[%get3A_87] : memref<100000xi32, #tpu.memory_space<vmem>>[vector<16xi32>], vector<16xi32>,
        %gather3A_92 = tpu.vector_load_idx %arg7[%get3A_89] : memref<100000xi32, #tpu.memory_space<vmem>>[vector<16xi32>], vector<16xi32>,
        %mul3A_93 = arith.constant 94 : i32
        %mul3A_94 = vector.broadcast %mul3A_93 : i32 to vector<16xi32>
        %mul3A_95 = arith.muli %gather3A, %mul3A_94 : vector<16xi32>
        %add3A_96 = arith.addi %mul3A_95, %gather3A_92 : vector<16xi32>
        %gather3A_97 = tpu.vector_load_idx %arg8[%add3A_96] : memref<8836xf32, #tpu.memory_space<vmem>>[vector<16xi32>], vector<16xf32>,
        %gather3A_98 = tpu.vector_load_idx %arg9[%add3A_96] : memref<8836xf32, #tpu.memory_space<vmem>>[vector<16xi32>], vector<16xf32>,
        %mul3A_99 = arith.mulf %gather3A_98, %get3A_91 : vector<16xf32>
        %min3A = arith.constant 3.829990e+02 : f32
        %min3A_100 = vector.broadcast %min3A : f32 to vector<16xf32>
        %min3A_101 = arith.minimumf %mul3A_99, %min3A_100 : vector<16xf32>
        %convert_element_type3A_102 = arith.fptosi %min3A_101 : vector<16xf32> to vector<16xi32>
        %gather3A_103 = tpu.vector_load_idx %arg10[%convert_element_type3A_102] : memref<384xf32, #tpu.memory_space<vmem>>[vector<16xi32>], vector<16xf32>,
        %div3A = arith.constant 1.000000e+00 : f32
        %div3A_104 = vector.broadcast %div3A : f32 to vector<16xf32>
        %div3A_105 = arith.divf %div3A_104, %get3A_91 : vector<16xf32>
        %mul3A_106 = arith.mulf %get3A_91, %get3A_91 : vector<16xf32>
        %mul3A_107 = arith.constant -1.920000e-03 : f32
        %mul3A_108 = vector.broadcast %mul3A_107 : f32 to vector<16xf32>
        %mul3A_109 = arith.mulf %get3A_91, %mul3A_108 : vector<16xf32>
        %add3A_110 = arith.constant 2.400000e-02 : f32
        %add3A_111 = vector.broadcast %add3A_110 : f32 to vector<16xf32>
        %add3A_112 = arith.addf %add3A_111, %mul3A_109 : vector<16xf32>
        %mul3A_113 = arith.mulf %get3A_91, %add3A_112 : vector<16xf32>
        %add3A_114 = arith.constant -8.000000e-02 : f32
        %add3A_115 = vector.broadcast %add3A_114 : f32 to vector<16xf32>
        %add3A_116 = arith.addf %add3A_115, %mul3A_113 : vector<16xf32>
        %mul3A_117 = arith.mulf %mul3A_106, %add3A_116 : vector<16xf32>
        %add3A_118 = arith.addf %div3A_105, %mul3A_117 : vector<16xf32>
        %le3A = arith.constant 5.000000e+00 : f32
        %le3A_119 = vector.broadcast %le3A : f32 to vector<16xf32>
        %le3A_120 = arith.cmpf ole, %get3A_91, %le3A_119 : vector<16xf32>
        %jit3A = arith.constant 0.000000e+00 : f32
        %broadcast_in_dim3A_121 = vector.broadcast %jit3A : f32 to vector<16xf32>
        %select_n3A = arith.select %le3A_120, %add3A_118, %broadcast_in_dim3A_121 : vector<16xi1>, vector<16xf32>
        %mul3A_122 = arith.mulf %gather3A_97, %gather3A_103 : vector<16xf32>
        %mul3A_123 = arith.mulf %mul3A_122, %select_n3A : vector<16xf32>
        %add3A_124 = arith.addf %scan3A_84, %mul3A_123 : vector<16xf32>
        scf.yield %add3A_124 : vector<16xf32>
      }
      %scan3A_51 = arith.constant 125 : i32
      %add3A_52 = arith.constant 2 : i32
      %add3A_53 = arith.addi %add3A_34, %add3A_52 : i32
      %lt3A = arith.constant 100 : i32
      %lt3A_54 = arith.cmpi slt, %add3A_53, %lt3A : i32
      %convert_element_type3A = arith.extui %lt3A_54 : i1 to i32
      %cond3A = arith.constant 0 : i32
      %cond3A_55 = arith.cmpi ne, %convert_element_type3A, %cond3A : i32
      scf.if %cond3A_55 {
        %add3A_83 = arith.constant 2 : i32
        %add3A_84 = arith.addi %add3A_34, %add3A_83 : i32
        %mul3A_85 = arith.constant 2000 : i32
        %mul3A_86 = arith.muli %add3A_84, %mul3A_85 : i32
        %add3A_87 = arith.addi %mul3A_2, %mul3A_86 : i32
        %dma_start3A_88 = tpu.memref_slice %arg2[%add3A_87] : memref<12800000xi32, #tpu.memory_space<hbm>> -> memref<2000xi32, #tpu.memory_space<hbm>>
        %dma_start3A_89 = tpu.memref_slice %arg2[%add3A_87] : memref<12800000xi32, #tpu.memory_space<hbm>> -> memref<2000xi32, #tpu.memory_space<hbm>>
        tpu.enqueue_dma source(%dma_start3A_89 : memref<2000xi32, #tpu.memory_space<hbm>>) target(%arg11 : memref<2000xi32, #tpu.memory_space<vmem>>) target_semaphore(%arg18 : memref<!tpu.dma_semaphore, #tpu.memory_space<semaphore_mem>>)
        %add3A_90 = arith.constant 6400000 : i32
        %add3A_91 = arith.addi %add3A_90, %add3A_87 : i32
        %dma_start3A_92 = tpu.memref_slice %arg2[%add3A_91] : memref<12800000xi32, #tpu.memory_space<hbm>> -> memref<2000xi32, #tpu.memory_space<hbm>>
        %dma_start3A_93 = tpu.memref_slice %arg2[%add3A_91] : memref<12800000xi32, #tpu.memory_space<hbm>> -> memref<2000xi32, #tpu.memory_space<hbm>>
        tpu.enqueue_dma source(%dma_start3A_93 : memref<2000xi32, #tpu.memory_space<hbm>>) target(%arg12 : memref<2000xi32, #tpu.memory_space<vmem>>) target_semaphore(%arg18 : memref<!tpu.dma_semaphore, #tpu.memory_space<semaphore_mem>>)
        %dma_start3A_94 = tpu.memref_slice %arg3[%add3A_87] : memref<6400000xf32, #tpu.memory_space<hbm>> -> memref<2000xf32, #tpu.memory_space<hbm>>
        %dma_start3A_95 = tpu.memref_slice %arg3[%add3A_87] : memref<6400000xf32, #tpu.memory_space<hbm>> -> memref<2000xf32, #tpu.memory_space<hbm>>
        tpu.enqueue_dma source(%dma_start3A_95 : memref<2000xf32, #tpu.memory_space<hbm>>) target(%arg13 : memref<2000xf32, #tpu.memory_space<vmem>>) target_semaphore(%arg18 : memref<!tpu.dma_semaphore, #tpu.memory_space<semaphore_mem>>)
      } else {
      }
      %add3A_56 = arith.constant 1 : i32
      %add3A_57 = arith.addi %mul3A_32, %add3A_56 : i32
      %dma_wait3A_58 = arith.constant 0 : i32
      %dma_wait3A_59 = tpu.memref_slice %arg2[%dma_wait3A_58] : memref<12800000xi32, #tpu.memory_space<hbm>> -> memref<2000xi32, #tpu.memory_space<hbm>>
      %dma_wait3A_60 = arith.constant 0 : i32
      %dma_wait3A_61 = tpu.memref_slice %arg2[%dma_wait3A_60] : memref<12800000xi32, #tpu.memory_space<hbm>> -> memref<2000xi32, #tpu.memory_space<hbm>>
      tpu.wait_dma2 semaphore(%arg19 : memref<!tpu.dma_semaphore, #tpu.memory_space<semaphore_mem>>) src(%dma_wait3A_61 : memref<2000xi32, #tpu.memory_space<hbm>>) dst(%arg14 : memref<2000xi32, #tpu.memory_space<vmem>>)
      %dma_wait3A_62 = arith.constant 0 : i32
      %dma_wait3A_63 = tpu.memref_slice %arg2[%dma_wait3A_62] : memref<12800000xi32, #tpu.memory_space<hbm>> -> memref<2000xi32, #tpu.memory_space<hbm>>
      %dma_wait3A_64 = arith.constant 0 : i32
      %dma_wait3A_65 = tpu.memref_slice %arg2[%dma_wait3A_64] : memref<12800000xi32, #tpu.memory_space<hbm>> -> memref<2000xi32, #tpu.memory_space<hbm>>
      tpu.wait_dma2 semaphore(%arg19 : memref<!tpu.dma_semaphore, #tpu.memory_space<semaphore_mem>>) src(%dma_wait3A_65 : memref<2000xi32, #tpu.memory_space<hbm>>) dst(%arg15 : memref<2000xi32, #tpu.memory_space<vmem>>)
      %dma_wait3A_66 = arith.constant 0 : i32
      %dma_wait3A_67 = tpu.memref_slice %arg3[%dma_wait3A_66] : memref<6400000xf32, #tpu.memory_space<hbm>> -> memref<2000xf32, #tpu.memory_space<hbm>>
      %dma_wait3A_68 = arith.constant 0 : i32
      %dma_wait3A_69 = tpu.memref_slice %arg3[%dma_wait3A_68] : memref<6400000xf32, #tpu.memory_space<hbm>> -> memref<2000xf32, #tpu.memory_space<hbm>>
      tpu.wait_dma2 semaphore(%arg19 : memref<!tpu.dma_semaphore, #tpu.memory_space<semaphore_mem>>) src(%dma_wait3A_69 : memref<2000xf32, #tpu.memory_space<hbm>>) dst(%arg16 : memref<2000xf32, #tpu.memory_space<vmem>>)
      %scan3A_70 = arith.constant 0 : i32
      %scan3A_71 = arith.constant 125 : i32
      %scan3A_72 = arith.addi %scan3A_70, %scan3A_71 : i32
      %scan3A_73 = arith.constant 1 : i32
      %scan3A_74 = scf.for %scan3A_83 = %scan3A_70 to %scan3A_72 step %scan3A_73 iter_args(%scan3A_84 = %scan3A_50) -> (vector<16xf32>)  : i32 {
        %mul3A_85 = arith.constant 16 : i32
        %mul3A_86 = arith.muli %scan3A_83, %mul3A_85 : i32
        %get3A = arith.index_cast %mul3A_86 : i32 to index
        %get3A_87 = tpu.vector_load %arg14[%get3A] {strides = array<i32>} : memref<2000xi32, #tpu.memory_space<vmem>>, vector<16xi32>,
        %get3A_88 = arith.index_cast %mul3A_86 : i32 to index
        %get3A_89 = tpu.vector_load %arg15[%get3A_88] {strides = array<i32>} : memref<2000xi32, #tpu.memory_space<vmem>>, vector<16xi32>,
        %get3A_90 = arith.index_cast %mul3A_86 : i32 to index
        %get3A_91 = tpu.vector_load %arg16[%get3A_90] {strides = array<i32>} : memref<2000xf32, #tpu.memory_space<vmem>>, vector<16xf32>,
        %gather3A = tpu.vector_load_idx %arg7[%get3A_87] : memref<100000xi32, #tpu.memory_space<vmem>>[vector<16xi32>], vector<16xi32>,
        %gather3A_92 = tpu.vector_load_idx %arg7[%get3A_89] : memref<100000xi32, #tpu.memory_space<vmem>>[vector<16xi32>], vector<16xi32>,
        %mul3A_93 = arith.constant 94 : i32
        %mul3A_94 = vector.broadcast %mul3A_93 : i32 to vector<16xi32>
        %mul3A_95 = arith.muli %gather3A, %mul3A_94 : vector<16xi32>
        %add3A_96 = arith.addi %mul3A_95, %gather3A_92 : vector<16xi32>
        %gather3A_97 = tpu.vector_load_idx %arg8[%add3A_96] : memref<8836xf32, #tpu.memory_space<vmem>>[vector<16xi32>], vector<16xf32>,
        %gather3A_98 = tpu.vector_load_idx %arg9[%add3A_96] : memref<8836xf32, #tpu.memory_space<vmem>>[vector<16xi32>], vector<16xf32>,
        %mul3A_99 = arith.mulf %gather3A_98, %get3A_91 : vector<16xf32>
        %min3A = arith.constant 3.829990e+02 : f32
        %min3A_100 = vector.broadcast %min3A : f32 to vector<16xf32>
        %min3A_101 = arith.minimumf %mul3A_99, %min3A_100 : vector<16xf32>
        %convert_element_type3A_102 = arith.fptosi %min3A_101 : vector<16xf32> to vector<16xi32>
        %gather3A_103 = tpu.vector_load_idx %arg10[%convert_element_type3A_102] : memref<384xf32, #tpu.memory_space<vmem>>[vector<16xi32>], vector<16xf32>,
        %div3A = arith.constant 1.000000e+00 : f32
        %div3A_104 = vector.broadcast %div3A : f32 to vector<16xf32>
        %div3A_105 = arith.divf %div3A_104, %get3A_91 : vector<16xf32>
        %mul3A_106 = arith.mulf %get3A_91, %get3A_91 : vector<16xf32>
        %mul3A_107 = arith.constant -1.920000e-03 : f32
        %mul3A_108 = vector.broadcast %mul3A_107 : f32 to vector<16xf32>
        %mul3A_109 = arith.mulf %get3A_91, %mul3A_108 : vector<16xf32>
        %add3A_110 = arith.constant 2.400000e-02 : f32
        %add3A_111 = vector.broadcast %add3A_110 : f32 to vector<16xf32>
        %add3A_112 = arith.addf %add3A_111, %mul3A_109 : vector<16xf32>
        %mul3A_113 = arith.mulf %get3A_91, %add3A_112 : vector<16xf32>
        %add3A_114 = arith.constant -8.000000e-02 : f32
        %add3A_115 = vector.broadcast %add3A_114 : f32 to vector<16xf32>
        %add3A_116 = arith.addf %add3A_115, %mul3A_113 : vector<16xf32>
        %mul3A_117 = arith.mulf %mul3A_106, %add3A_116 : vector<16xf32>
        %add3A_118 = arith.addf %div3A_105, %mul3A_117 : vector<16xf32>
        %le3A = arith.constant 5.000000e+00 : f32
        %le3A_119 = vector.broadcast %le3A : f32 to vector<16xf32>
        %le3A_120 = arith.cmpf ole, %get3A_91, %le3A_119 : vector<16xf32>
        %jit3A = arith.constant 0.000000e+00 : f32
        %broadcast_in_dim3A_121 = vector.broadcast %jit3A : f32 to vector<16xf32>
        %select_n3A = arith.select %le3A_120, %add3A_118, %broadcast_in_dim3A_121 : vector<16xi1>, vector<16xf32>
        %mul3A_122 = arith.mulf %gather3A_97, %gather3A_103 : vector<16xf32>
        %mul3A_123 = arith.mulf %mul3A_122, %select_n3A : vector<16xf32>
        %add3A_124 = arith.addf %scan3A_84, %mul3A_123 : vector<16xf32>
        scf.yield %add3A_124 : vector<16xf32>
      }
      %scan3A_75 = arith.constant 125 : i32
      %add3A_76 = arith.constant 2 : i32
      %add3A_77 = arith.addi %add3A_57, %add3A_76 : i32
      %lt3A_78 = arith.constant 100 : i32
      %lt3A_79 = arith.cmpi slt, %add3A_77, %lt3A_78 : i32
      %convert_element_type3A_80 = arith.extui %lt3A_79 : i1 to i32
      %cond3A_81 = arith.constant 0 : i32
      %cond3A_82 = arith.cmpi ne, %convert_element_type3A_80, %cond3A_81 : i32
      scf.if %cond3A_82 {
        %add3A_83 = arith.constant 2 : i32
        %add3A_84 = arith.addi %add3A_57, %add3A_83 : i32
        %mul3A_85 = arith.constant 2000 : i32
        %mul3A_86 = arith.muli %add3A_84, %mul3A_85 : i32
        %add3A_87 = arith.addi %mul3A_2, %mul3A_86 : i32
        %dma_start3A_88 = tpu.memref_slice %arg2[%add3A_87] : memref<12800000xi32, #tpu.memory_space<hbm>> -> memref<2000xi32, #tpu.memory_space<hbm>>
        %dma_start3A_89 = tpu.memref_slice %arg2[%add3A_87] : memref<12800000xi32, #tpu.memory_space<hbm>> -> memref<2000xi32, #tpu.memory_space<hbm>>
        tpu.enqueue_dma source(%dma_start3A_89 : memref<2000xi32, #tpu.memory_space<hbm>>) target(%arg14 : memref<2000xi32, #tpu.memory_space<vmem>>) target_semaphore(%arg19 : memref<!tpu.dma_semaphore, #tpu.memory_space<semaphore_mem>>)
        %add3A_90 = arith.constant 6400000 : i32
        %add3A_91 = arith.addi %add3A_90, %add3A_87 : i32
        %dma_start3A_92 = tpu.memref_slice %arg2[%add3A_91] : memref<12800000xi32, #tpu.memory_space<hbm>> -> memref<2000xi32, #tpu.memory_space<hbm>>
        %dma_start3A_93 = tpu.memref_slice %arg2[%add3A_91] : memref<12800000xi32, #tpu.memory_space<hbm>> -> memref<2000xi32, #tpu.memory_space<hbm>>
        tpu.enqueue_dma source(%dma_start3A_93 : memref<2000xi32, #tpu.memory_space<hbm>>) target(%arg15 : memref<2000xi32, #tpu.memory_space<vmem>>) target_semaphore(%arg19 : memref<!tpu.dma_semaphore, #tpu.memory_space<semaphore_mem>>)
        %dma_start3A_94 = tpu.memref_slice %arg3[%add3A_87] : memref<6400000xf32, #tpu.memory_space<hbm>> -> memref<2000xf32, #tpu.memory_space<hbm>>
        %dma_start3A_95 = tpu.memref_slice %arg3[%add3A_87] : memref<6400000xf32, #tpu.memory_space<hbm>> -> memref<2000xf32, #tpu.memory_space<hbm>>
        tpu.enqueue_dma source(%dma_start3A_95 : memref<2000xf32, #tpu.memory_space<hbm>>) target(%arg16 : memref<2000xf32, #tpu.memory_space<vmem>>) target_semaphore(%arg19 : memref<!tpu.dma_semaphore, #tpu.memory_space<semaphore_mem>>)
      } else {
      }
      scf.yield %scan3A_74 : vector<16xf32>
    }
    %scan3A_27 = arith.constant 50 : i32
    %swap3A = arith.constant 0 : index
    %swap3A_28 = tpu.vector_load %arg17[%swap3A] {strides = array<i32>} : memref<16xf32, #tpu.memory_space<vmem>>, vector<16xf32>,
    tpu.vector_store %arg17[%swap3A], %scan3A_26 {strides = array<i32>} : memref<16xf32, #tpu.memory_space<vmem>>, vector<16xf32>,
    "tpu.region"() ({
      %run_scoped3A = tpu.sem_alloc : memref<!tpu.dma_semaphore, #tpu.memory_space<semaphore_mem>>
      %dma_start3A_29 = arith.constant 0 : i32
      %dma_start3A_30 = tpu.memref_slice %arg6[%add3A, %dma_start3A_29] : memref<32x16xf32, #tpu.memory_space<hbm>> -> memref<1x16xf32, #tpu.memory_space<hbm>>
      %dma_start3A_31 = tpu.memref_squeeze %dma_start3A_30 : memref<1x16xf32, #tpu.memory_space<hbm>> -> memref<16xf32, #tpu.memory_space<hbm>>
      %dma_start3A_32 = arith.constant 0 : i32
      %dma_start3A_33 = tpu.memref_slice %arg6[%add3A, %dma_start3A_32] : memref<32x16xf32, #tpu.memory_space<hbm>> -> memref<1x16xf32, #tpu.memory_space<hbm>>
      %dma_start3A_34 = tpu.memref_squeeze %dma_start3A_33 : memref<1x16xf32, #tpu.memory_space<hbm>> -> memref<16xf32, #tpu.memory_space<hbm>>
      tpu.enqueue_dma source(%arg17 : memref<16xf32, #tpu.memory_space<vmem>>) target(%dma_start3A_34 : memref<16xf32, #tpu.memory_space<hbm>>) target_semaphore(%run_scoped3A : memref<!tpu.dma_semaphore, #tpu.memory_space<semaphore_mem>>)
      %dma_wait3A = arith.constant 0 : i32
      %dma_wait3A_35 = tpu.memref_slice %arg6[%add3A, %dma_wait3A] : memref<32x16xf32, #tpu.memory_space<hbm>> -> memref<1x16xf32, #tpu.memory_space<hbm>>
      %dma_wait3A_36 = tpu.memref_squeeze %dma_wait3A_35 : memref<1x16xf32, #tpu.memory_space<hbm>> -> memref<16xf32, #tpu.memory_space<hbm>>
      %dma_wait3A_37 = arith.constant 0 : i32
      %dma_wait3A_38 = tpu.memref_slice %arg6[%add3A, %dma_wait3A_37] : memref<32x16xf32, #tpu.memory_space<hbm>> -> memref<1x16xf32, #tpu.memory_space<hbm>>
      %dma_wait3A_39 = tpu.memref_squeeze %dma_wait3A_38 : memref<1x16xf32, #tpu.memory_space<hbm>> -> memref<16xf32, #tpu.memory_space<hbm>>
      tpu.wait_dma2 semaphore(%run_scoped3A : memref<!tpu.dma_semaphore, #tpu.memory_space<semaphore_mem>>) src(%arg17 : memref<16xf32, #tpu.memory_space<vmem>>) dst(%dma_wait3A_39 : memref<16xf32, #tpu.memory_space<hbm>>)
      tpu.yield
    }) : () -> ()
    return
  }
}

</mosaic_0001>

<sc_bundles>
// kernel: kernel.3.cloned.1.call-start
scs
__scs_entry_jumppad:
0x0: {  	(pc) =	sbr.rel $0x88, $3  }
0x1: {  	(tag) =	ssettag $0x0;
	lr =	simm.s32 $0x1  }
0x2: {  	[smem:$0x3F99] =	sst lr;
	_ =	strace $0xD0000000  }
0x3: {  	_ = 	snop  }
0x4: {  	_ = 	snop  }
0x5: {  	_ = 	snop  }
0x6: {  	_ = 	snop  }
0x7: {  	_ = 	snop  }
__scs_overlays_trampoline_lowered:
0x8: {  	[smem:$0x3FA8] =	sst s0  }
0x9: {  	[smem:$0x3FA9] =	sst s1  }
0xa: {  	[smem:$0x3FAA] =	sst s2  }
0xb: {  	[smem:$0x3FAB] =	sst s3  }
0xc: {  	[smem:$0x3FAC] =	sst s4  }
0xd: {  	[smem:$0x3FAD] =	sst s5  }
0xe: {  	[smem:$0x3FAE] =	sst s6  }
0xf: {  	[smem:$0x3FAF] =	sst s7  }
0x10: {  	[smem:$0x3FB0] =	sst s8  }
0x11: {  	[smem:$0x3FB1] =	sst s9;
	s0 =	simm.s32 @!p0 $0x0  }
0x12: {  	s1 =	sld [smem:$0x3F97];
	s0 =	simm.s32 @p0 $0x1  }
0x13: {  	[smem:$0x3FB2] =	sst s0;
	s0 =	simm.s32 @!p1 $0x0  }
0x14: {  	s2 =	sld [smem:$0x3F96];
	s0 =	simm.s32 @p1 $0x1  }
0x15: {  	[smem:$0x3FB3] =	sst s0;
	s0 =	simm.s32 @!p2 $0x0  }
0x16: {  	s3 =	sld [smem:$0x3FDB];
	s0 =	simm.s32 @p2 $0x1  }
0x17: {  	s4 =	simm.s32 $0x1BF5;
	[smem:$0x3FB5] =	sst s0  }
0x18: {  	s0 =	sld [smem:$0x3F98];
	_ =	swait.ge [sflag:s4], $0x0  }
0x19: {  	s7 =	sld [smem:$0x3F99]  }
0x1a: {  	s8 =	sadd.s32 $0xFFFFE003, lr  }
0x1b: {  	s9 =	sadd.s32 $0xFFFFFEF7, lr;
	s5 =	simm.s32 $0xFFFFFFFF;
	p2 =	slt.u32 s8, $0xFFFFF086  }
0x1c: {  	p1 =	slt.u32 s9, $0xF7A;
	s5 =	simm.s32 @!p2 $0x0  }
0x1d: {  	s5 =	simm.s32 @p1 $0x1;
	p0 =	seq.s32 s7, s2  }
0x1e: {  	s7 =	smul.u32 @!p0 $0xF7A, s2;
	p2 =	seq.s32 @!p0 s5, $0x0  }
0x1f: {  	s9 =	smul.u32 $0xF7A, s1;
	s8 =	simm.s32 @!p0 $0x1BF5;
	p2 =	por !p2, p0  }
0x20: {  	[sflag:s8] =	ssyncset.s32 @!p0 $0xFFFFF086;
	s6 =	sadd.s32 @!p0 s3, s7;
	s7 =	simm.s32 @!p0 $0x108  }
0x21: {  	s3 =	sadd.s32 s3, s9;
	s6 =	sadd.s32 @!p0 $0x88, s6;
	s7 =	simm.s32 @p2 $0x1082  }
0x22: {  	[simem:s7], [sflag:s8] =	dma.local @!p0 [hbm:s6], $0xF7A  }
0x23: {  	s9 =	sor.u32 $0xD0000000, s2;
	s6 =	simm.s32 $0x108;
	_ =	swait.ge @!p0 [sflag:s8], $0x0  }
0x24: {  	s3 =	sadd.s32 $0x88, s3;
	s6 =	simm.s32 @!p1 $0x1082;
	[sflag:s4] =	ssyncset.s32 $0xFFFFF086  }
0x25: {  	[simem:s6], [sflag:s4] =	dma.local [hbm:s3], $0xF7A  }
0x26: {  	[smem:$0x3F99] =	sst s1;
	(tag) =	ssettag s2;
	_ =	strace s9  }
0x27: {  	s1 =	sld [smem:$0x3FA9]  }
0x28: {  	s2 =	sld [smem:$0x3FAA]  }
0x29: {  	s4 =	sld [smem:$0x3FAC]  }
0x2a: {  	p0 =	seq.s32 s5, $0x0;
	s5 =	sld [smem:$0x3FAD]  }
0x2b: {  	s6 =	sld [smem:$0x3FAE]  }
0x2c: {  	s7 =	sld [smem:$0x3FAF]  }
0x2d: {  	s3 =	simm.s32 $0x108;
	s8 =	sld [smem:$0x3FB0]  }
0x2e: {  	s3 =	simm.s32 @!p0 $0x1082;
	s9 =	sld [smem:$0x3FB1]  }
0x2f: {  	lr =	sadd.s32 s0, s3;
	s0 =	sld [smem:$0x3FA8]  }
0x30: {  	s3 =	sld [smem:$0x3FAB]  }
0x31: {  	[smem:$0x3FB4] =	sst s10  }
0x32: {  	s10 =	sld [smem:$0x3FB2];
	_ =	sdelay $0x3  }
0x33: {  	p0 =	seq.s32 s10, $0x1;
	s10 =	sld [smem:$0x3FB4];
	_ =	sdelay $0x3  }
0x34: {  	[smem:$0x3FB4] =	sst s10  }
0x35: {  	s10 =	sld [smem:$0x3FB3];
	_ =	sdelay $0x3  }
0x36: {  	p1 =	seq.s32 s10, $0x1;
	s10 =	sld [smem:$0x3FB4];
	_ =	sdelay $0x3  }
0x37: {  	[smem:$0x3FB4] =	sst s10  }
0x38: {  	s10 =	sld [smem:$0x3FB5]  }
0x39: {  	_ = 	snop;
	(pc) =	sbr.ind lr, $3  }
0x3a: {  	_ = 	snop  }
0x3b: {  	_ = 	snop  }
0x3c: {  	p2 =	seq.s32 s10, $0x1;
	s10 =	sld [smem:$0x3FB4]  }
0x3d: {  	_ =	shalt  }
0x3e: {  	_ =	shalt  }
0x3f: {  	_ =	shalt  }
0x40: {  	_ =	shalt  }
0x41: {  	_ =	shalt  }
0x42: {  	_ =	shalt  }
0x43: {  	_ =	shalt  }
0x44: {  	_ =	shalt  }
0x45: {  	_ =	shalt  }
0x46: {  	_ =	shalt  }
0x47: {  	_ =	shalt  }
0x48: {  	_ =	shalt  }
0x49: {  	_ =	shalt  }
0x4a: {  	_ =	shalt  }
0x4b: {  	_ =	shalt  }
0x4c: {  	_ =	shalt  }
0x4d: {  	_ =	shalt  }
0x4e: {  	_ =	shalt  }
0x4f: {  	_ =	shalt  }
0x50: {  	_ =	shalt  }
0x51: {  	_ =	shalt  }
0x52: {  	_ =	shalt  }
0x53: {  	_ =	shalt  }
0x54: {  	_ =	shalt  }
0x55: {  	_ =	shalt  }
0x56: {  	_ =	shalt  }
0x57: {  	_ =	shalt  }
0x58: {  	_ =	shalt  }
0x59: {  	_ =	shalt  }
0x5a: {  	_ =	shalt  }
0x5b: {  	_ =	shalt  }
0x5c: {  	_ =	shalt  }
0x5d: {  	_ =	shalt  }
0x5e: {  	_ =	shalt  }
0x5f: {  	_ =	shalt  }
0x60: {  	_ =	shalt  }
0x61: {  	_ =	shalt  }
0x62: {  	_ =	shalt  }
0x63: {  	_ =	shalt  }
0x64: {  	_ =	shalt  }
0x65: {  	_ =	shalt  }
0x66: {  	_ =	shalt  }
0x67: {  	_ =	shalt  }
0x68: {  	_ =	shalt  }
0x69: {  	_ =	shalt  }
0x6a: {  	_ =	shalt  }
0x6b: {  	_ =	shalt  }
0x6c: {  	_ =	shalt  }
0x6d: {  	_ =	shalt  }
0x6e: {  	_ =	shalt  }
0x6f: {  	_ =	shalt  }
0x70: {  	_ =	shalt  }
0x71: {  	_ =	shalt  }
0x72: {  	_ =	shalt  }
0x73: {  	_ =	shalt  }
0x74: {  	_ =	shalt  }
0x75: {  	_ =	shalt  }
0x76: {  	_ =	shalt  }
0x77: {  	_ =	shalt  }
0x78: {  	_ =	shalt  }
0x79: {  	_ =	shalt  }
0x7a: {  	_ =	shalt  }
0x7b: {  	_ =	shalt  }
0x7c: {  	_ =	shalt  }
0x7d: {  	_ =	shalt  }
0x7e: {  	_ =	shalt  }
0x7f: {  	_ =	shalt  }
0x80: {  	_ =	shalt  }
0x81: {  	_ =	shalt  }
0x82: {  	_ =	shalt  }
0x83: {  	_ =	shalt  }
0x84: {  	_ =	shalt  }
0x85: {  	_ =	shalt  }
0x86: {  	_ =	shalt  }
0x87: {  	_ =	shalt  }
.Lfunc_end0:
.L_simem_size_0:
called_computation.1_lowered:
.L_overlay_start_0:
0x88: {  	s2 =	sld [smem:$0x3FD9]  }
0x89: {  	s3 =	sld [smem:$0x3FFE];
	_ =	sdelay $0x1  }
0x8a: {  	s1 =	srdreg.scid  }
0x8b: {  	s0 =	sand.u32 $0x1, s1  }
0x8c: {  	s17 =	sshll.u32 s0, $0xA;
	s2 =	sadd.s32 s3, s2  }
0x8d: {  	s2 =	sadd.s32 s2, s17  }
0x8e: {  	[smem:$0x3FC0] =	sst s2  }
0x8f: {  	_ = 	snop  }
0x90: {  	s2 =	sld [smem:$0x3FC9]  }
0x91: {  	s18 =	sld [smem:$0x3FC7];
	(tm) =	ssettm $0x1  }
0x92: {  	s4 =	sld [smem:$0x3FFB];
	_ =	sdelay $0x3  }
0x93: {  	_ =	strace s4  }
0x94: {  	s4 =	sld [smem:$0x3FFC];
	_ =	sdelay $0x3  }
0x95: {  	_ =	strace s4  }
0x96: {  	s4 =	sld [smem:$0x3FFD];
	_ =	sdelay $0x3  }
0x97: {  	_ =	strace s4  }
0x98: {  	_ =	strace $0x8FFFFFFF  }
0x99: {  	s19 =	sld [smem:$0x3FDB];
	_ =	sdelay $0x1  }
0x9a: {  	s5 =	simm.s32 $_scs_section_size  }
0x9b: {  	s6 =	simm.s32 $_size__tile_overlayer_lowered;
	s7 =	simm.s32 $_tile_overlayer_lowered  }
0x9c: {  	s22 =	simm.s32 $0x1BFF;
	s21 =	sshll.u32 s7, $0x1;
	s4 =	sadd.s32 s5, s19  }
0x9d: {  	s8 =	simm.s32 $0x0;
	s20 =	sshll.u32 s6, $0x1;
	s6 =	sadd.s32 s21, s4  }
0x9e: {  	[timem:s8], [sflag:s22] =	dma.local [hbm:s6], s20  }
0x9f: {  	_ =	swait.ge [sflag:s22], s20  }
0xa0: {  	s5 =	ssub.s32 $0x0, s20;
	[sflag:s22] =	ssyncset.done $0x0  }
0xa1: {  	[sflag:s22] =	ssyncadd.s32 s5;
	_ =	sdelay $0x1  }
0xa2: {  	s23 =	simm.s32 $0x1B8B  }
0xa3: {  	_ =	swait.ge [sflag:s23], $0x1  }
0xa4: {  	[sflag:s23] =	ssyncset.done $0x0  }
0xa5: {  	s25 =	simm.s32 $0x1B8E;
	s24 =	sld [smem:$0x3FFE];
	[sflag:s23] =	ssyncadd.s32 $0xFFFFFFFF  }
0xa6: {  	s26 =	simm.s32 $execute0_lowered;
	[smem:$0x3FD2] =	sst s25  }
0xa7: {  	s6 =	sshll.u32 s26, $0x1;
	_ =	strace $0x80000049;
	[dreg:$0x1] =	wrdreg $0xFFFFFFFF  }
0xa8: {  	s28 =	simm.s32 $_size_execute0_lowered;
	s4 =	sadd.s32 s4, s6;
	[dreg:$0x0] =	wrdreg $0x0  }
0xa9: {  	s6 =	sshll.u32 s28, $0x1;
	[dreg:$0x2] =	wrdreg s4  }
0xaa: {  	[dreg:$0x3] =	wrdreg s6  }
0xab: {  	[dreg:$0x4] =	wrdreg $0xC0  }
0xac: {  	_ =	task [dreg:s8], $0x5FFFF  }
0xad: {  	[dreg:$0x1] =	wrdreg $0xFFFFFFFF  }
0xae: {  	[dreg:$0x0] =	wrdreg $0x60  }
0xaf: {  	[dreg:$0x2] =	wrdreg s24  }
0xb0: {  	[dreg:$0x3] =	wrdreg s18  }
0xb1: {  	[dreg:$0x4] =	wrdreg s2  }
0xb2: {  	[dreg:$0x5] =	wrdreg $0x9  }
0xb3: {  	_ =	task.clear_ibuf [dreg:s8], $0x6FFFF;
	_ =	strace $0x90000049  }
0xb4: {  	s29 =	simm.s32 $0x9;
	_ =	strace $0x8000004B  }
0xb5: {  	_ =	swait.ge [sflag:s29], $0x1  }
0xb6: {  	[sflag:s29] =	ssyncadd.s32 $0xFFFFFFFF  }
0xb7: {  	_ =	strace $0x9000004B  }
0xb8: {  	_ =	sfence  }
0xb9: {  	s30 =	sld [smem:$0x0];
	_ =	sdelay $0x2  }
0xba: {  	s31 =	sshll.u32 s1, $0xD;
	s1 =	sshrl.u32 s1, $0x2  }
0xbb: {  	s3 =	sand.u32 $0x4000, s31;
	s1 =	sadd.s32 s1, s30  }
0xbc: {  	s0 =	sor.u32 s3, s0;
	s1 =	sshll.u32 s1, $0x11  }
0xbd: {  	s0 =	sor.u32 s1, s0  }
0xbe: {  	s0 =	sadd.s32 $0x8F2B, s0  }
0xbf: {  	[sflag:s0] =	ssyncadd.remote.s32 $0x1  }
0xc0: {  	_ =	sfence.sel $0xFFFF  }
0xc1: {  	[dreg:$0x0] =	wrdreg $0xFFFFFFFF;
	(pc) =	sbr.abs _section_cstart, $3  }
0xc2: {  	[dreg:$0x1] =	wrdreg $0xFFFFFFFF  }
0xc3: {  	_ =	task.clear_ibuf [dreg:s8], $0x2FFFF;
	_ =	strace $0x9FFFFFFF  }
0xc4: {  	(tm) =	ssettm $0x7FFFFFFF  }
0xc5: {  	_ =	shalt  }
tec
execute0_lowered:
.L_overlay_start_1:
0x0: {  	(tag) =	ssettag $0x1  }
0x1: {  	s1 =	rddreg [dreg:$0x0]  }
0x2: {  	s3 =	rddreg [dreg:$0x1]  }
0x3: {  	s0 =	srdreg.scid;
	s2 =	stileid.u32  }
0x4: {  	s5 =	simm.s32 $0x0;
	s22 =	simm.s32 $0x1E680;
	s23 =	simm.s32 $0x1EE80  }
0x5: {  	s24 =	simm.s32 $0x1F680;
	s25 =	simm.s32 $0x3;
	s26 =	simm.s32 $0x18700  }
0x6: {  	s28 =	simm.s32 $0x1AA00;
	s29 =	simm.s32 $0x1CD00;
	s30 =	simm.s32 $0x1  }
0x7: {  	s31 =	simm.s32 $0x2;
	s0 =	sand.u32 $0x1, s0;
	[smem:$0x7FF] =	sst s5  }
0x8: {  	s2 =	sshll.u32 s2, $0x1;
	s6 =	sadd.s32 $0x186A00, s1;
	s13 =	sadd.s32 $0x186E51, s1  }
0x9: {  	s14 =	sadd.s32 $0x1872A2, s1;
	s2 =	sor.u32 s0, s2;
	_ =	strace $0x8000004A  }
0xa: {  	s0 =	ssub.s32 $0x2, s0;
	s4 =	smul.u32 $0x30D40, s2;
	s2 =	sshll.u32 s2, $0x4  }
0xb: {  	[dreg:$0x4] =	wrdreg s6;
	s8 =	sshrl.u32 s0, $0x1;
	s2 =	sadd.s32 s2, s1  }
.Ltmp0:
0xc: {  	s0 =	ssub.s32 s0, s8;
	s9 =	sshrl.u32 s4, $0x3;
	(pc) =	sbr.rel .LBB2_1-.Ltmp0, $4  }
0xd: {  	s15 =	sadd.s32 $0xFA0, s4;
	s16 =	sadd.s32 $0x1770, s4;
	s17 =	sadd.s32 $0x187400, s2  }
0xe: {  	s18 =	smax.u32 s0, $0x1;
	s0 =	simm.s32 $0x0;
	s7 =	sadd.s32 s1, s9  }
0xf: {  	s12 =	sadd.s32 $0xFA, s9;
	s9 =	sadd.s32 s3, s9;
	s8 =	sadd.s32 $0xC3500, s7  }
0x10: {  	s10 =	sadd.s32 s1, s12;
	s11 =	sadd.s32 $0xC35FA, s7;
	s12 =	sadd.s32 s3, s12  }
.LBB2_8:
0x11: {  	s0 =	sadd.s32 $0x1, s0  }
0x12: {  	p0 =	sne.s32 s0, s18  }
.Ltmp1:
0x13: {  	[tilespmem:$0x1FE80] =	vst v0;
	s2 =	simm.s32 $0x1FE80;
	(pc) =	sbr.rel @!p0 .LBB2_9-.Ltmp1, $4  }
0x14: {  	[hbm4b:s17+s5] =	stream.linear.scatter [tilespmem:s2], [sflag:$0x3], $0x80, $0x38;
	[tilespmem:$0x1FF00] =	vst v63  }
0x15: {  	_ =	swait.ge [sflag:s25], $0x80  }
0x16: {  	[sflag:s25] =	ssyncset.done $0x0  }
0x17: {  	[sflag:s25] =	ssyncadd.s32 $0xFFFFFF80  }
.LBB2_1:
0x18: {  	s2 =	simm.s32 $0x1CE80  }
0x19: {  	[tilespmem:s2], [sflag:$0x1] =	stream.linear.gather [hbm4b:s7+s5], $0x7D0, $0x38;
	[tilespmem:$0x1FF00] =	vst v63  }
0x1a: {  	s6 =	simm.s32 $0x1D680  }
0x1b: {  	[tilespmem:s6], [sflag:$0x1] =	stream.linear.gather [hbm4b:s8+s5], $0x7D0, $0x38;
	[tilespmem:$0x1FF00] =	vst v63  }
0x1c: {  	s19 =	simm.s32 $0x1DE80  }
0x1d: {  	[tilespmem:s19], [sflag:$0x1] =	stream.linear.gather [hbm4b:s9+s5], $0x7D0, $0x38;
	[tilespmem:$0x1FF00] =	vst v63  }
0x1e: {  	_ = 	snop  }
0x1f: {  	[tilespmem:s22], [sflag:$0x2] =	stream.linear.gather [hbm4b:s10+s5], $0x7D0, $0x38;
	[tilespmem:$0x1FF00] =	vst v63  }
0x20: {  	_ = 	snop  }
0x21: {  	[tilespmem:s23], [sflag:$0x2] =	stream.linear.gather [hbm4b:s11+s5], $0x7D0, $0x38;
	[tilespmem:$0x1FF00] =	vst v63  }
0x22: {  	_ = 	snop  }
0x23: {  	[tilespmem:s24], [sflag:$0x2] =	stream.linear.gather [hbm4b:s12+s5], $0x7D0, $0x38;
	[tilespmem:$0x1FF00] =	vst v63  }
0x24: {  	s20 =	rddreg [dreg:$0x2]  }
0x25: {  	[tilespmem:s5], [sflag:$0x3] =	stream.linear.gather [hbm4b:s20+s5], $0x18700, $0x38;
	[tilespmem:$0x1FF00] =	vst v63  }
0x26: {  	_ =	swait.ge [sflag:s25], $0x18700  }
0x27: {  	[sflag:s25] =	ssyncset.done $0x0  }
0x28: {  	s21 =	rddreg [dreg:$0x4];
	[sflag:s25] =	ssyncadd.s32 $0xFFFE7900  }
0x29: {  	[tilespmem:s26], [sflag:$0x3] =	stream.linear.gather [hbm4b:s21+s5], $0x2284, $0x38;
	[tilespmem:$0x1FF00] =	vst v63  }
0x2a: {  	_ =	swait.ge [sflag:s25], $0x2284  }
0x2b: {  	[sflag:s25] =	ssyncset.done $0x0  }
0x2c: {  	[sflag:s25] =	ssyncadd.s32 $0xFFFFDD7C  }
0x2d: {  	[tilespmem:s28], [sflag:$0x3] =	stream.linear.gather [hbm4b:s13+s5], $0x2284, $0x38;
	[tilespmem:$0x1FF00] =	vst v63  }
0x2e: {  	_ =	swait.ge [sflag:s25], $0x2284  }
0x2f: {  	[sflag:s25] =	ssyncset.done $0x0  }
0x30: {  	[sflag:s25] =	ssyncadd.s32 $0xFFFFDD7C  }
0x31: {  	[tilespmem:s29], [sflag:$0x3] =	stream.linear.gather [hbm4b:s14+s5], $0x180, $0x38;
	[tilespmem:$0x1FF00] =	vst v63  }
0x32: {  	_ =	swait.ge [sflag:s25], $0x180  }
0x33: {  	[sflag:s25] =	ssyncset.done $0x0  }
0x34: {  	v0 =	vimm.f32 $0.0e+00;
	s4 =	simm.s32 $0x0;
	[sflag:s25] =	ssyncadd.s32 $0xFFFFFE80  }
.LBB2_2:
0x35: {  	_ =	swait.ge [sflag:s30], $0x7D0  }
0x36: {  	[sflag:s30] =	ssyncset.done $0x0  }
0x37: {  	[sflag:s30] =	ssyncadd.s32 $0xFFFFF830  }
0x38: {  	_ =	swait.ge [sflag:s30], $0x7D0  }
0x39: {  	[sflag:s30] =	ssyncset.done $0x0  }
0x3a: {  	[sflag:s30] =	ssyncadd.s32 $0xFFFFF830  }
0x3b: {  	_ =	swait.ge [sflag:s30], $0x7D0  }
0x3c: {  	[sflag:s30] =	ssyncset.done $0x0  }
0x3d: {  	s2 =	simm.s32 $0x0;
	[sflag:s30] =	ssyncadd.s32 $0xFFFFF830  }
0x3e: {  	v1 =	vld [tilespmem:s2+$0x1CE80];
	_ =	sdelay $0x1  }
0x3f: {  	v2 =	vld [tilespmem:s2+$0x1D680];
	_ =	sdelay $0x3  }
0x40: {  	s21 =	simm.s32 $0x10  }
0x41: {  	v3 =	vld [tilespmem:s21+$0x1CE80]  }
0x42: {  	v1 =	vld.idx.msk [tilespmem:v1+s5+$0x0], $0xffff  }
0x43: {  	v4 =	vld [tilespmem:s21+$0x1D680]  }
0x44: {  	v2 =	vld.idx.msk [tilespmem:v2+s5+$0x0], $0xffff;
	_ =	sdelay $0x2  }
0x45: {  	v1 =	vmul.u32 $0x5E, v1  }
0x46: {  	s6 =	simm.s32 $0x20  }
0x47: {  	v5 =	vld [tilespmem:s6+$0x1D680];
	v2 =	vadd.s32 v2, v1  }
0x48: {  	v3 =	vld.idx.msk [tilespmem:v3+s5+$0x0], $0xffff  }
0x49: {  	v1 =	vld [tilespmem:s6+$0x1CE80]  }
0x4a: {  	v4 =	vld.idx.msk [tilespmem:v4+s5+$0x0], $0xffff  }
0x4b: {  	v8 =	vld [tilespmem:s2+$0x1DE80]  }
0x4c: {  	v7 =	vld.idx.msk [tilespmem:v2+s28+$0x0], $0xffff  }
0x4d: {  	v3 =	vmul.u32 $0x5E, v3  }
0x4e: {  	s19 =	simm.s32 $0x30  }
0x4f: {  	v9 =	vld [tilespmem:s19+$0x1D680];
	v6 =	vadd.s32 v4, v3  }
0x50: {  	v4 =	vld [tilespmem:s19+$0x1CE80]  }
0x51: {  	v3 =	vld.idx.msk [tilespmem:v1+s5+$0x0], $0xffff;
	v1 =	vmul.f32 v7, v8;
	_ =	sdelay $0x1  }
0x52: {  	v5 =	vld.idx.msk [tilespmem:v5+s5+$0x0], $0xffff;
	v1 =	vmin.f32 v1, $3.829989930e+02  }
0x53: {  	v11 =	vmul.f32 $-1.919999950e-03, v8;
	v10 =	vld.idx.msk [tilespmem:v6+s28+$0x0], $0xffff;
	v7 =	vtrunc.f32 v1  }
0x54: {  	s20 =	simm.s32 $0x40;
	(erf) = vrcp.f32 v8;
	v1 =	vld [tilespmem:s21+$0x1DE80];
	v12 =	vcvt.f32.s32 v7  }
0x55: {  	v15 =	vld [tilespmem:s20+$0x1D680]  }
0x56: {  	v16 =	vld [tilespmem:s20+$0x1CE80];
	v11 =	vadd.f32 $2.400000020e-02, v11;
	v3 =	vmul.u32 $0x5E, v3  }
0x57: {  	v4 =	vld.idx.msk [tilespmem:v4+s5+$0x0], $0xffff  }
0x58: {  	v9 =	vld.idx.msk [tilespmem:v9+s5+$0x0], $0xffff;
	s21 =	simm.s32 $0x50;
	v7 =	vadd.s32 v5, v3;
	v3 =	vmul.f32 v11, v8  }
0x59: {  	v13 =	vld [tilespmem:s21+$0x1D680];
	v5 =	vmul.f32 v10, v1  }
0x5a: {  	v11 =	vmul.f32 v8, v8;
	v17 =	vld.idx.msk [tilespmem:v12+s29+$0x0], $0xffff;
	v12 =	vadd.f32 $-7.999999820e-02, v3  }
0x5b: {  	v10 =	vld.idx.msk [tilespmem:v2+s26+$0x0], $0xffff;
	v18 =	vmul.f32 $-1.919999950e-03, v1;
	v5 =	vmin.f32 v5, $3.829989930e+02  }
0x5c: {  	v4 =	vmul.u32 $0x5E, v4;
	v2 =	vld [tilespmem:s6+$0x1DE80];
	v5 =	vtrunc.f32 v5;
	v12 =	vmul.f32 v12, v11  }
0x5d: {  	v19 =	vpop (erf);
	v3 =	vld.idx.msk [tilespmem:v7+s28+$0x0], $0xffff;
	v11 =	vcvt.f32.s32 v5  }
0x5e: {  	v14 =	vld [tilespmem:s21+$0x1CE80];
	(erf) = vrcp.f32 v1;
	v18 =	vadd.f32 $2.400000020e-02, v18;
	v19 =	vadd.f32 v12, v19  }
0x5f: {  	vm0 =	vle.f32 v8, $5.000000000e+00;
	v5 =	vld.idx.msk [tilespmem:v15+s5+$0x0], $0xffff;
	v12 =	vadd.s32 v9, v4  }
0x60: {  	s2 =	simm.s32 $0x180;
	v15 =	vld.idx.msk [tilespmem:v16+s5+$0x0], $0xffff;
	v9 =	vmul.f32 v18, v1;
	v4 =	vmovc v1;
	v8 =	vmul.f32 v17, v10;
	v10 =	vnsel vm0, $0x0, v19  }
.LBB2_3:
0x61: {  	v16 =	vmov v1;
	v1 =	vmov v2  }
0x62: {  	p0 =	sne.s32 s2, $0x1F00;
	v2 =	vmul.f32 v3, v2;
	v3 =	vmul.f32 v10, v8;
	v17 =	vld.idx.msk [tilespmem:v6+s26+$0x0], $0xffff;
	v10 =	vmovc v1;
	v6 =	vmov v7  }
0x63: {  	v16 =	vmul.f32 v16, v4;
	v18 =	vmov v13;
	v7 =	vmov v12;
	v8 =	vld.idx.msk [tilespmem:v11+s29+$0x0], $0xffff  }
0x64: {  	v9 =	vadd.f32 $-7.999999820e-02, v9;
	v2 =	vmin.f32 v2, $3.829989930e+02;
	v0 =	vadd.f32 v3, v0;
	v19 =	vmovc v14  }
0x65: {  	v11 =	vtrunc.f32 v2;
	v3 =	vld.idx.msk [tilespmem:v12+s28+$0x0], $0xffff;
	v12 =	vmul.f32 $-1.919999950e-03, v10  }
.Ltmp2:
0x66: {  	s6 =	sshra.s32 s2, $0x2;
	v9 =	vmul.f32 v9, v16;
	v11 =	vcvt.f32.s32 v11;
	v2 =	vld [tilespmem:s19+$0x1DE80];
	s19 =	smov.u32 s20;
	(pc) =	sbr.rel @p0 .LBB2_3-.Ltmp2, $4  }
0x67: {  	v15 =	vmul.u32 $0x5E, v15;
	s20 =	smov.u32 s21;
	s21 =	smov.u32 s6;
	v13 =	vld [tilespmem:s6+$0x1D680];
	(erf) = vrcp.f32 v10;
	v16 =	vpop (erf)  }
0x68: {  	v20 =	vadd.f32 $2.400000020e-02, v12;
	v14 =	vld [tilespmem:s21+$0x1CE80];
	v16 =	vadd.f32 v9, v16  }
0x69: {  	vm0 =	vle.f32 v4, $5.000000000e+00;
	v4 =	vmovc v10;
	v12 =	vadd.s32 v5, v15;
	v8 =	vmul.f32 v8, v17;
	v5 =	vld.idx.msk [tilespmem:v18+s5+$0x0], $0xffff  }
0x6a: {  	s2 =	sadd.s32 $0x40, s2;
	v9 =	vmul.f32 v20, v4;
	v15 =	vld.idx.msk [tilespmem:v19+s5+$0x0], $0xffff;
	v10 =	vnsel vm0, $0x0, v16  }
0x6b: {  	_ =	sdelay $0x5  }
0x6c: {  	v14 =	vld.idx.msk [tilespmem:v14+s5+$0x0], $0xffff;
	_ =	sdelay $0x1  }
0x6d: {  	v13 =	vld.idx.msk [tilespmem:v13+s5+$0x0], $0xffff  }
0x6e: {  	v15 =	vmul.u32 $0x5E, v15;
	_ =	sdelay $0x1  }
0x6f: {  	v15 =	vadd.s32 v5, v15;
	v5 =	vmul.u32 $0x5E, v14;
	_ =	sdelay $0x1  }
0x70: {  	v16 =	vld [tilespmem:s19+$0x1DE80];
	v13 =	vadd.s32 v13, v5  }
0x71: {  	v18 =	vmul.f32 v3, v2;
	v3 =	vld [tilespmem:s21+$0x1DE80]  }
0x72: {  	v14 =	vld.idx.msk [tilespmem:v12+s28+$0x0], $0xffff  }
0x73: {  	v5 =	vld [tilespmem:s20+$0x1DE80]  }
0x74: {  	v17 =	vld.idx.msk [tilespmem:v15+s28+$0x0], $0xffff  }
0x75: {  	v19 =	vld.idx.msk [tilespmem:v13+s28+$0x0], $0xffff;
	_ =	sdelay $0x1  }
0x76: {  	v18 =	vmin.f32 v18, $3.829989930e+02  }
0x77: {  	v18 =	vtrunc.f32 v18;
	v14 =	vmul.f32 v14, v16  }
0x78: {  	v18 =	vcvt.f32.s32 v18;
	v17 =	vmul.f32 v17, v5  }
0x79: {  	(erf) = vrcp.f32 v2;
	v14 =	vmin.f32 v14, $3.829989930e+02;
	v19 =	vmul.f32 v19, v3  }
0x7a: {  	v6 =	vld.idx.msk [tilespmem:v6+s26+$0x0], $0xffff;
	(erf) = vrcp.f32 v16;
	v14 =	vtrunc.f32 v14;
	v17 =	vmin.f32 v17, $3.829989930e+02  }
0x7b: {  	v11 =	vld.idx.msk [tilespmem:v11+s29+$0x0], $0xffff;
	v14 =	vcvt.f32.s32 v14;
	v17 =	vtrunc.f32 v17;
	v19 =	vmin.f32 v19, $3.829989930e+02  }
0x7c: {  	v7 =	vld.idx.msk [tilespmem:v7+s26+$0x0], $0xffff;
	v17 =	vcvt.f32.s32 v17;
	v19 =	vtrunc.f32 v19  }
0x7d: {  	p0 =	seq.s32 s4, $0x31;
	v12 =	vld.idx.msk [tilespmem:v12+s26+$0x0], $0xffff;
	(erf) = vrcp.f32 v5;
	v19 =	vcvt.f32.s32 v19  }
0x7e: {  	s2 =	smul.u32 @!p0 $0xFA0, s4;
	v18 =	vld.idx.msk [tilespmem:v18+s29+$0x0], $0xffff;
	(erf) = vrcp.f32 v3  }
0x7f: {  	v15 =	vld.idx.msk [tilespmem:v15+s26+$0x0], $0xffff  }
0x80: {  	s2 =	sadd.s32 @!p0 s2, s15;
	v13 =	vld.idx.msk [tilespmem:v13+s26+$0x0], $0xffff  }
0x81: {  	s2 =	sshrl.u32 @!p0 s2, $0x3;
	v14 =	vld.idx.msk [tilespmem:v14+s29+$0x0], $0xffff  }
0x82: {  	s19 =	simm.s32 @!p0 $0x0;
	s6 =	sadd.s32 @!p0 s1, s2;
	s20 =	simm.s32 @!p0 $0x1CE80;
	v17 =	vld.idx.msk [tilespmem:v17+s29+$0x0], $0xffff  }
0x83: {  	v20 =	vpop (erf);
	v19 =	vld.idx.msk [tilespmem:v19+s29+$0x0], $0xffff;
	[tilespmem:s20], [sflag:$0x1] =	stream.linear.gather @!p0 [hbm4b:s6+s19], $0x7D0, $0x38  }
0x84: {  	v21 =	vpop (erf);
	s6 =	sadd.s32 @!p0 $0xC3500, s6;
	s20 =	simm.s32 @!p0 $0x1D680  }
0x85: {  	v22 =	vpop (erf);
	[tilespmem:s20], [sflag:$0x1] =	stream.linear.gather @!p0 [hbm4b:s6+s19], $0x7D0, $0x38;
	[tilespmem:$0x1FF00] =	vst v63  }
0x86: {  	s2 =	sadd.s32 @!p0 s3, s2;
	v23 =	vpop (erf);
	s6 =	simm.s32 @!p0 $0x1DE80  }
0x87: {  	v24 =	vpop (erf);
	[tilespmem:s6], [sflag:$0x1] =	stream.linear.gather @!p0 [hbm4b:s2+s19], $0x7D0, $0x38;
	[tilespmem:$0x1FF00] =	vst v63  }
0x88: {  	_ =	swait.ge [sflag:s31], $0x7D0  }
0x89: {  	[sflag:s31] =	ssyncset.done $0x0  }
0x8a: {  	[sflag:s31] =	ssyncadd.s32 $0xFFFFF830  }
0x8b: {  	_ =	swait.ge [sflag:s31], $0x7D0  }
0x8c: {  	[sflag:s31] =	ssyncset.done $0x0  }
0x8d: {  	[sflag:s31] =	ssyncadd.s32 $0xFFFFF830  }
0x8e: {  	_ =	swait.ge [sflag:s31], $0x7D0  }
0x8f: {  	[sflag:s31] =	ssyncset.done $0x0  }
0x90: {  	s20 =	simm.s32 $0x0;
	[sflag:s31] =	ssyncadd.s32 $0xFFFFF830  }
0x91: {  	v25 =	vld [tilespmem:s20+$0x1E680];
	_ =	sdelay $0x1  }
0x92: {  	v26 =	vld [tilespmem:s20+$0x1EE80];
	_ =	sdelay $0x3  }
0x93: {  	s21 =	simm.s32 $0x10;
	v1 =	vmul.f32 v1, v4;
	v28 =	vmul.f32 $-1.919999950e-03, v2;
	v9 =	vadd.f32 $-7.999999820e-02, v9  }
0x94: {  	v27 =	vld [tilespmem:s21+$0x1E680]  }
0x95: {  	v1 =	vmul.f32 v9, v1;
	v9 =	vadd.f32 $2.400000020e-02, v28;
	v25 =	vld.idx.msk [tilespmem:v25+s5+$0x0], $0xffff  }
0x96: {  	v55 =	vmul.f32 $-1.919999950e-03, v16;
	v29 =	vld [tilespmem:s21+$0x1EE80]  }
0x97: {  	v8 =	vmul.f32 v10, v8;
	v9 =	vmul.f32 v9, v2;
	v26 =	vld.idx.msk [tilespmem:v26+s5+$0x0], $0xffff  }
0x98: {  	vm0 =	vle.f32 v4, $5.000000000e+00;
	v1 =	vadd.f32 v1, v20;
	v4 =	vadd.f32 $2.400000020e-02, v55  }
0x99: {  	v6 =	vmul.f32 v11, v6;
	v11 =	vmul.f32 v2, v2;
	v9 =	vadd.f32 $-7.999999820e-02, v9  }
0x9a: {  	v1 =	vnsel vm0, $0x0, v1;
	v4 =	vmul.f32 v4, v16;
	v25 =	vmul.u32 $0x5E, v25  }
0x9b: {  	v0 =	vadd.f32 v8, v0;
	v1 =	vmul.f32 v1, v6;
	v6 =	vmul.f32 v9, v11;
	s2 =	simm.s32 $0x20  }
0x9c: {  	v9 =	vmul.f32 v16, v16;
	v4 =	vadd.f32 $-7.999999820e-02, v4;
	v56 =	vld [tilespmem:s2+$0x1E680];
	v10 =	vadd.s32 v26, v25  }
0x9d: {  	v57 =	vld.idx.msk [tilespmem:v27+s5+$0x0], $0xffff  }
0x9e: {  	v0 =	vadd.f32 v1, v0;
	v1 =	vadd.f32 v6, v21;
	v4 =	vmul.f32 v4, v9;
	v8 =	vld [tilespmem:s2+$0x1EE80]  }
0x9f: {  	vm11 =	vle.f32 v2, $5.000000000e+00;
	v6 =	vmul.f32 $-1.919999950e-03, v5;
	v2 =	vmul.f32 v18, v7;
	v11 =	vld.idx.msk [tilespmem:v29+s5+$0x0], $0xffff  }
0xa0: {  	v1 =	vnsel vm11, $0x0, v1;
	v9 =	vmul.f32 $-1.919999950e-03, v3;
	v59 =	vld [tilespmem:s20+$0x1F680]  }
0xa1: {  	v4 =	vadd.f32 v4, v22;
	v6 =	vadd.f32 $2.400000020e-02, v6;
	v2 =	vmul.f32 v1, v2;
	v58 =	vld.idx.msk [tilespmem:v10+s28+$0x0], $0xffff  }
0xa2: {  	vm12 =	vle.f32 v16, $5.000000000e+00;
	v9 =	vadd.f32 $2.400000020e-02, v9;
	v7 =	vmul.u32 $0x5E, v57  }
0xa3: {  	v4 =	vnsel vm12, $0x0, v4;
	v6 =	vmul.f32 v6, v5;
	v61 =	vadd.f32 v2, v0  }
0xa4: {  	v0 =	vmul.f32 v9, v3;
	s19 =	simm.s32 $0x30;
	v1 =	vadd.s32 v11, v7;
	v7 =	vmul.f32 v14, v12;
	v11 =	vld.idx.msk [tilespmem:v56+s5+$0x0], $0xffff  }
0xa5: {  	v6 =	vadd.f32 $-7.999999820e-02, v6;
	v62 =	vmul.f32 $-1.919999950e-03, v59;
	v12 =	vmul.f32 v5, v5;
	v14 =	vld [tilespmem:s19+$0x1E680]  }
0xa6: {  	vm13 =	vle.f32 v5, $5.000000000e+00;
	v4 =	vmul.f32 v4, v7;
	v7 =	vld.idx.msk [tilespmem:v8+s5+$0x0], $0xffff;
	v60 =	vmul.f32 v58, v59  }
0xa7: {  	v0 =	vadd.f32 $-7.999999820e-02, v0;
	v16 =	vld [tilespmem:s19+$0x1EE80];
	(erf) = vrcp.f32 v59;
	v6 =	vmul.f32 v6, v12  }
0xa8: {  	v5 =	vmul.f32 v17, v15;
	v8 =	vmul.f32 v3, v3;
	v2 =	vmin.f32 v60, $3.829989930e+02  }
0xa9: {  	v6 =	vadd.f32 v6, v23;
	v9 =	vld.idx.msk [tilespmem:v1+s28+$0x0], $0xffff;
	v11 =	vmul.u32 $0x5E, v11;
	v12 =	vtrunc.f32 v2  }
0xaa: {  	s20 =	simm.s32 $0x40;
	v8 =	vmul.f32 v0, v8;
	v2 =	vld [tilespmem:s21+$0x1F680];
	v12 =	vcvt.f32.s32 v12  }
0xab: {  	v15 =	vld [tilespmem:s20+$0x1EE80];
	v6 =	vnsel vm13, $0x0, v6;
	v0 =	vadd.s32 v7, v11  }
0xac: {  	v17 =	vld [tilespmem:s20+$0x1E680];
	v7 =	vadd.f32 $2.400000020e-02, v62;
	v5 =	vmul.f32 v6, v5;
	v6 =	vadd.f32 v8, v24  }
0xad: {  	vm14 =	vle.f32 v3, $5.000000000e+00;
	v3 =	vmul.f32 v19, v13;
	v4 =	vadd.f32 v4, v61;
	v8 =	vld.idx.msk [tilespmem:v14+s5+$0x0], $0xffff  }
0xae: {  	v13 =	vld.idx.msk [tilespmem:v10+s26+$0x0], $0xffff;
	v7 =	vmul.f32 v7, v59;
	v6 =	vnsel vm14, $0x0, v6  }
0xaf: {  	v11 =	vld.idx.msk [tilespmem:v16+s5+$0x0], $0xffff;
	v5 =	vadd.f32 v5, v4;
	v3 =	vmul.f32 v6, v3;
	v9 =	vmul.f32 v9, v2  }
0xb0: {  	v10 =	vmul.f32 v59, v59;
	v14 =	vld.idx.msk [tilespmem:v12+s29+$0x0], $0xffff;
	v12 =	vadd.f32 $-7.999999820e-02, v7  }
0xb1: {  	v4 =	vld [tilespmem:s2+$0x1F680];
	v3 =	vadd.f32 v3, v5;
	v16 =	vmul.f32 $-1.919999950e-03, v2;
	v6 =	vmin.f32 v9, $3.829989930e+02  }
0xb2: {  	s21 =	simm.s32 $0x50;
	v7 =	vld.idx.msk [tilespmem:v0+s28+$0x0], $0xffff;
	v5 =	vtrunc.f32 v6;
	v6 =	vmul.u32 $0x5E, v8;
	v63 =	vmul.f32 v12, v10  }
0xb3: {  	v8 =	vpop (erf);
	v10 =	vld [tilespmem:s21+$0x1EE80];
	v9 =	vcvt.f32.s32 v5  }
0xb4: {  	v16 =	vadd.f32 $2.400000020e-02, v16;
	(erf) = vrcp.f32 v2;
	v12 =	vld [tilespmem:s21+$0x1E680];
	v19 =	vadd.f32 v63, v8  }
0xb5: {  	vm15 =	vle.f32 v59, $5.000000000e+00;
	v5 =	vadd.s32 v11, v6;
	v8 =	vld.idx.msk [tilespmem:v15+s5+$0x0], $0xffff  }
0xb6: {  	s2 =	simm.s32 $0x180;
	v15 =	vmul.f32 v16, v2;
	v11 =	vmul.f32 v14, v13;
	v13 =	vld.idx.msk [tilespmem:v17+s5+$0x0], $0xffff;
	v6 =	vmovc v2;
	v14 =	vnsel vm15, $0x0, v19  }
.LBB2_5:
0xb7: {  	v16 =	vmov v2;
	v2 =	vmov v4  }
0xb8: {  	p1 =	sne.s32 s2, $0x1F00;
	v4 =	vmul.f32 v7, v4;
	v7 =	vmul.f32 v14, v11;
	v17 =	vld.idx.msk [tilespmem:v1+s26+$0x0], $0xffff;
	v14 =	vmovc v2;
	v1 =	vmov v0  }
0xb9: {  	v16 =	vmul.f32 v16, v6;
	v18 =	vmov v10;
	v0 =	vmov v5;
	v11 =	vld.idx.msk [tilespmem:v9+s29+$0x0], $0xffff  }
0xba: {  	v10 =	vadd.f32 $-7.999999820e-02, v15;
	v4 =	vmin.f32 v4, $3.829989930e+02;
	v3 =	vadd.f32 v7, v3;
	v15 =	vmovc v12  }
0xbb: {  	v19 =	vmul.f32 $-1.919999950e-03, v14;
	v7 =	vld.idx.msk [tilespmem:v5+s28+$0x0], $0xffff;
	v5 =	vtrunc.f32 v4  }
.Ltmp3:
0xbc: {  	s6 =	sshra.s32 s2, $0x2;
	v4 =	vld [tilespmem:s19+$0x1F680];
	v9 =	vcvt.f32.s32 v5;
	v5 =	vmul.f32 v10, v16;
	s19 =	smov.u32 s20;
	(pc) =	sbr.rel @p1 .LBB2_5-.Ltmp3, $4  }
0xbd: {  	v13 =	vmul.u32 $0x5E, v13;
	s20 =	smov.u32 s21;
	s21 =	smov.u32 s6;
	v10 =	vld [tilespmem:s6+$0x1EE80];
	(erf) = vrcp.f32 v14;
	v16 =	vpop (erf)  }
0xbe: {  	v19 =	vadd.f32 $2.400000020e-02, v19;
	v12 =	vld [tilespmem:s21+$0x1E680];
	v16 =	vadd.f32 v5, v16  }
0xbf: {  	vm0 =	vle.f32 v6, $5.000000000e+00;
	v6 =	vmovc v14;
	v5 =	vadd.s32 v8, v13;
	v11 =	vmul.f32 v11, v17;
	v8 =	vld.idx.msk [tilespmem:v18+s5+$0x0], $0xffff  }
0xc0: {  	s2 =	sadd.s32 $0x40, s2;
	v13 =	vld.idx.msk [tilespmem:v15+s5+$0x0], $0xffff;
	v15 =	vmul.f32 v19, v6;
	v14 =	vnsel vm0, $0x0, v16  }
0xc1: {  	_ =	sdelay $0x5  }
0xc2: {  	v12 =	vld.idx.msk [tilespmem:v12+s5+$0x0], $0xffff;
	_ =	sdelay $0x1  }
0xc3: {  	v10 =	vld.idx.msk [tilespmem:v10+s5+$0x0], $0xffff  }
0xc4: {  	v1 =	vld.idx.msk [tilespmem:v1+s26+$0x0], $0xffff;
	v13 =	vmul.u32 $0x5E, v13  }
0xc5: {  	v9 =	vld.idx.msk [tilespmem:v9+s29+$0x0], $0xffff  }
0xc6: {  	v37 =	vld.idx.msk [tilespmem:v5+s28+$0x0], $0xffff;
	v8 =	vadd.s32 v8, v13;
	v12 =	vmul.u32 $0x5E, v12  }
0xc7: {  	v7 =	vmul.f32 v7, v4;
	v2 =	vmul.f32 v2, v6;
	v16 =	vld [tilespmem:s19+$0x1F680];
	v15 =	vadd.f32 $-7.999999820e-02, v15  }
0xc8: {  	v38 =	vmul.f32 $-1.919999950e-03, v4;
	(erf) = vrcp.f32 v4;
	v40 =	vld [tilespmem:s20+$0x1F680];
	v10 =	vadd.s32 v10, v12  }
0xc9: {  	v11 =	vmul.f32 v14, v11;
	v7 =	vmin.f32 v7, $3.829989930e+02;
	v2 =	vmul.f32 v15, v2  }
0xca: {  	v43 =	vld [tilespmem:s21+$0x1F680];
	v45 =	vmul.f32 v4, v4;
	v7 =	vtrunc.f32 v7;
	v39 =	vpop (erf)  }
0xcb: {  	v7 =	vcvt.f32.s32 v7;
	v1 =	vmul.f32 v9, v1;
	v2 =	vadd.f32 v2, v39;
	v17 =	vld.idx.msk [tilespmem:v8+s28+$0x0], $0xffff  }
0xcc: {  	vm0 =	vle.f32 v6, $5.000000000e+00;
	v41 =	vmul.f32 v37, v16;
	v44 =	vmul.f32 $-1.919999950e-03, v16  }
0xcd: {  	(erf) = vrcp.f32 v16;
	v50 =	vmul.f32 $-1.919999950e-03, v40;
	v2 =	vnsel vm0, $0x0, v2;
	v42 =	vld.idx.msk [tilespmem:v10+s28+$0x0], $0xffff  }
0xce: {  	v12 =	vadd.f32 $2.400000020e-02, v38;
	v1 =	vmul.f32 v2, v1;
	v2 =	vmin.f32 v41, $3.829989930e+02  }
0xcf: {  	v53 =	vmul.f32 $-1.919999950e-03, v43;
	v6 =	vadd.f32 $2.400000020e-02, v44;
	v2 =	vtrunc.f32 v2  }
0xd0: {  	v12 =	vmul.f32 v12, v4;
	v17 =	vmul.f32 v17, v40  }
0xd1: {  	v6 =	vmul.f32 v6, v16;
	v2 =	vcvt.f32.s32 v2  }
0xd2: {  	v12 =	vadd.f32 $-7.999999820e-02, v12;
	v48 =	vmin.f32 v17, $3.829989930e+02;
	v9 =	vmul.f32 v42, v43  }
0xd3: {  	v0 =	vld.idx.msk [tilespmem:v0+s26+$0x0], $0xffff;
	v3 =	vadd.f32 v11, v3;
	v47 =	vpop (erf);
	(erf) = vrcp.f32 v40;
	v49 =	vtrunc.f32 v48  }
0xd4: {  	v7 =	vld.idx.msk [tilespmem:v7+s29+$0x0], $0xffff;
	v46 =	vmul.f32 v12, v45;
	v12 =	vcvt.f32.s32 v49;
	v9 =	vmin.f32 v9, $3.829989930e+02  }
0xd5: {  	v54 =	vmul.f32 v16, v16;
	v6 =	vadd.f32 $-7.999999820e-02, v6;
	v52 =	vtrunc.f32 v9  }
0xd6: {  	v51 =	vld.idx.msk [tilespmem:v5+s26+$0x0], $0xffff;
	v14 =	vadd.f32 $2.400000020e-02, v50;
	(erf) = vrcp.f32 v43;
	v5 =	vcvt.f32.s32 v52  }
0xd7: {  	vm12 =	vle.f32 v4, $5.000000000e+00;
	v1 =	vadd.f32 v1, v3;
	v3 =	vmul.f32 v6, v54;
	v2 =	vld.idx.msk [tilespmem:v2+s29+$0x0], $0xffff  }
0xd8: {  	v14 =	vmul.f32 v14, v40;
	v56 =	vpop (erf);
	v11 =	vadd.f32 v46, v47;
	v9 =	vadd.f32 $2.400000020e-02, v53  }
0xd9: {  	v58 =	vmul.f32 v40, v40;
	v55 =	vld.idx.msk [tilespmem:v8+s26+$0x0], $0xffff;
	v0 =	vmul.f32 v7, v0;
	v3 =	vadd.f32 v3, v56  }
0xda: {  	v59 =	vadd.f32 $-7.999999820e-02, v14;
	v11 =	vnsel vm12, $0x0, v11;
	v9 =	vmul.f32 v9, v43;
	v57 =	vld.idx.msk [tilespmem:v12+s29+$0x0], $0xffff  }
0xdb: {  	vm13 =	vle.f32 v16, $5.000000000e+00;
	v62 =	vmul.f32 v43, v43;
	v60 =	vld.idx.msk [tilespmem:v10+s26+$0x0], $0xffff;
	v0 =	vmul.f32 v11, v0  }
0xdc: {  	v61 =	vmul.f32 v59, v58;
	v2 =	vmul.f32 v2, v51;
	v9 =	vadd.f32 $-7.999999820e-02, v9;
	v5 =	vld.idx.msk [tilespmem:v5+s29+$0x0], $0xffff  }
0xdd: {  	v0 =	vadd.f32 v0, v1;
	v1 =	vnsel vm13, $0x0, v3;
	v3 =	vpop (erf)  }
0xde: {  	v1 =	vmul.f32 v1, v2;
	v2 =	vadd.f32 v61, v3;
	v3 =	vmul.f32 v9, v62  }
0xdf: {  	vm14 =	vle.f32 v40, $5.000000000e+00;
	v63 =	vpop (erf);
	v6 =	vmul.f32 v57, v55  }
0xe0: {  	v0 =	vadd.f32 v1, v0;
	v1 =	vnsel vm14, $0x0, v2;
	v2 =	vadd.f32 v3, v63  }
.Ltmp4:
0xe1: {  	vm15 =	vle.f32 v43, $5.000000000e+00;
	v1 =	vmul.f32 v1, v6;
	v3 =	vmul.f32 v5, v60;
	(pc) =	sbr.rel @p0 .LBB2_8-.Ltmp4, $3  }
0xe2: {  	v2 =	vnsel vm15, $0x0, v2  }
0xe3: {  	v0 =	vadd.f32 v1, v0;
	v1 =	vmul.f32 v2, v3;
	_ =	sdelay $0x1  }
0xe4: {  	v0 =	vadd.f32 v1, v0  }
0xe5: {  	s2 =	smul.u32 $0xFA0, s4;
	_ =	sdelay $0x1  }
0xe6: {  	s2 =	sadd.s32 s2, s16  }
0xe7: {  	s2 =	sshrl.u32 s2, $0x3  }
0xe8: {  	s6 =	sadd.s32 s1, s2  }
0xe9: {  	[tilespmem:s22], [sflag:$0x2] =	stream.linear.gather [hbm4b:s6+s5], $0x7D0, $0x38;
	[tilespmem:$0x1FF00] =	vst v63  }
.Ltmp5:
0xea: {  	_ = 	snop;
	(pc) =	sbr.rel .LBB2_2-.Ltmp5, $4  }
0xeb: {  	s6 =	sadd.s32 $0xC3500, s6  }
0xec: {  	[tilespmem:s23], [sflag:$0x2] =	stream.linear.gather [hbm4b:s6+s5], $0x7D0, $0x38;
	[tilespmem:$0x1FF00] =	vst v63  }
0xed: {  	s4 =	sadd.s32 $0x1, s4;
	s2 =	sadd.s32 s3, s2  }
0xee: {  	[tilespmem:s24], [sflag:$0x2] =	stream.linear.gather [hbm4b:s2+s5], $0x7D0, $0x38;
	[tilespmem:$0x1FF00] =	vst v63  }
.LBB2_9:
0xef: {  	_ =	sfence.sel $0x180000  }
0xf0: {  	[bflag:$0x0] =	sbarrier.arrive $0xFFFF  }
0xf1: {  	_ =	strace $0x9000004A  }
0xf2: {  	s0 =	stileid.u32;
	[bflag:$0x2] =	sbarrier.arrive $0xFFFF  }
0xf3: {  	p0 =	sne.s32 s0, $0x0;
	s0 =	rddreg [dreg:$0x3]  }
0xf4: {  	s0 =	sadd.s32 @!p0 $0x100000, s0  }
0xf5: {  	[sflag:s0] =	ssyncadd.tile.s32 @!p0 $0x1;
	_ =	shalt  }
.Lfunc_end2:
_tile_overlayer_lowered:
.L_overlay_start_2:
0xf6: {  	(tag) =	ssettag $0x2  }
0xf7: {  	s0 =	rddreg [dreg:$0x0];
	s2 =	stileid.u32  }
0xf8: {  	s1 =	rddreg [dreg:$0x1];
	p0 =	sne.s32 s2, $0x0  }
0xf9: {  	s3 =	rddreg [dreg:$0x2];
	[bflag:$0x3] =	sbarrier.arrive $0xFFFF;
	s2 =	simm.s32 @!p0 $0x1C03  }
0xfa: {  	[timem:s3], [sflag:s2] =	dma.local @!p0 [hbm:s0], s1  }
0xfb: {  	s0 =	simm.s32 @!p0 $0x3  }
0xfc: {  	_ =	swait.ge @!p0 [sflag:s0], s1  }
0xfd: {  	s1 =	ssub.s32 @!p0 $0x0, s1;
	[sflag:s0] =	ssyncset.done @!p0 $0x0  }
0xfe: {  	[sflag:s0] =	ssyncadd.s32 @!p0 s1  }
0xff: {  	[bflag:$0x3] =	sbarrier.arrive $0xFFFF  }
0x100: {  	_ =	shalt  }

// kernel: sparse-core-data-format-call.cloned.1.call-start
scs
called_computation_lowered:
.L_overlay_start_0:
0x0: {  	s2 =	sld [smem:$0x3FD9]  }
0x1: {  	s3 =	sld [smem:$0x3FFE];
	_ =	sdelay $0x1  }
0x2: {  	s1 =	srdreg.scid  }
0x3: {  	s0 =	sand.u32 $0x1, s1  }
0x4: {  	s18 =	sshll.u32 s0, $0xA;
	s2 =	sadd.s32 s3, s2  }
0x5: {  	s2 =	sadd.s32 s2, s18  }
0x6: {  	[smem:$0x3FC0] =	sst s2  }
0x7: {  	_ = 	snop  }
0x8: {  	s2 =	sld [smem:$0x3FC8];
	(tm) =	ssettm $0x1  }
0x9: {  	s19 =	sld [smem:$0x3FFB];
	_ =	sdelay $0x3  }
0xa: {  	_ =	strace s19  }
0xb: {  	s3 =	sld [smem:$0x3FFC];
	_ =	sdelay $0x3  }
0xc: {  	_ =	strace s3  }
0xd: {  	s3 =	sld [smem:$0x3FFD];
	_ =	sdelay $0x3  }
0xe: {  	_ =	strace s3  }
0xf: {  	_ =	strace $0x8FFFFFFF  }
0x10: {  	s20 =	sld [smem:$0x3FDB];
	_ =	sdelay $0x1  }
0x11: {  	s4 =	simm.s32 $_scs_section_size  }
0x12: {  	s5 =	simm.s32 $_size__tile_overlayer_lowered;
	s6 =	simm.s32 $_tile_overlayer_lowered  }
0x13: {  	s23 =	simm.s32 $0x1BFF;
	s22 =	sshll.u32 s6, $0x1;
	s3 =	sadd.s32 s4, s20  }
0x14: {  	s7 =	simm.s32 $0x0;
	s21 =	sshll.u32 s5, $0x1;
	s5 =	sadd.s32 s22, s3  }
0x15: {  	[timem:s7], [sflag:s23] =	dma.local [hbm:s5], s21  }
0x16: {  	_ =	swait.ge [sflag:s23], s21  }
0x17: {  	s4 =	ssub.s32 $0x0, s21;
	[sflag:s23] =	ssyncset.done $0x0  }
0x18: {  	[sflag:s23] =	ssyncadd.s32 s4;
	_ =	sdelay $0x1  }
0x19: {  	s24 =	simm.s32 $0x1B8B  }
0x1a: {  	_ =	swait.ge [sflag:s24], $0x1  }
0x1b: {  	[sflag:s24] =	ssyncset.done $0x0  }
0x1c: {  	s26 =	simm.s32 $0x1B8E;
	s25 =	sld [smem:$0x3FFE];
	[sflag:s24] =	ssyncadd.s32 $0xFFFFFFFF  }
0x1d: {  	s27 =	simm.s32 $execute0_lowered;
	[smem:$0x3FD2] =	sst s26  }
0x1e: {  	s5 =	sshll.u32 s27, $0x1;
	_ =	strace $0x80000046;
	[dreg:$0x1] =	wrdreg $0xFFFFFFFF  }
0x1f: {  	s28 =	simm.s32 $_size_execute0_lowered;
	s3 =	sadd.s32 s3, s5;
	[dreg:$0x0] =	wrdreg $0x0  }
0x20: {  	s5 =	sshll.u32 s28, $0x1;
	[dreg:$0x2] =	wrdreg s3  }
0x21: {  	[dreg:$0x3] =	wrdreg s5  }
0x22: {  	[dreg:$0x4] =	wrdreg $0xC0  }
0x23: {  	_ =	task [dreg:s7], $0x5FFFF  }
0x24: {  	[dreg:$0x1] =	wrdreg $0xFFFFFFFF  }
0x25: {  	[dreg:$0x0] =	wrdreg $0x60  }
0x26: {  	[dreg:$0x2] =	wrdreg s2  }
0x27: {  	[dreg:$0x3] =	wrdreg s25  }
0x28: {  	[dreg:$0x4] =	wrdreg $0x9  }
0x29: {  	_ =	task.clear_ibuf [dreg:s7], $0x5FFFF;
	_ =	strace $0x90000046  }
0x2a: {  	s29 =	simm.s32 $0x9;
	_ =	strace $0x80000048  }
0x2b: {  	_ =	swait.ge [sflag:s29], $0x1  }
0x2c: {  	[sflag:s29] =	ssyncadd.s32 $0xFFFFFFFF  }
0x2d: {  	_ =	strace $0x90000048  }
0x2e: {  	_ =	sfence  }
0x2f: {  	s30 =	sld [smem:$0x0];
	_ =	sdelay $0x2  }
0x30: {  	s31 =	sshll.u32 s1, $0xD;
	s1 =	sshrl.u32 s1, $0x2  }
0x31: {  	s3 =	sand.u32 $0x4000, s31;
	s1 =	sadd.s32 s1, s30  }
0x32: {  	s0 =	sor.u32 s3, s0;
	s1 =	sshll.u32 s1, $0x11  }
0x33: {  	s0 =	sor.u32 s1, s0  }
0x34: {  	s0 =	sadd.s32 $0x8F2B, s0  }
0x35: {  	[sflag:s0] =	ssyncadd.remote.s32 $0x1  }
0x36: {  	_ =	sfence.sel $0xFFFF  }
0x37: {  	[dreg:$0x0] =	wrdreg $0xFFFFFFFF;
	(pc) =	sbr.abs _section_cstart, $3  }
0x38: {  	[dreg:$0x1] =	wrdreg $0xFFFFFFFF  }
0x39: {  	_ =	task.clear_ibuf [dreg:s7], $0x2FFFF;
	_ =	strace $0x9FFFFFFF  }
0x3a: {  	(tm) =	ssettm $0x7FFFFFFF  }
0x3b: {  	_ =	shalt  }
tec
execute0_lowered:
.L_overlay_start_1:
0x0: {  	(tag) =	ssettag $0x1  }
0x1: {  	s0 =	stileid.u32  }
0x2: {  	s1 =	srdreg.scid;
	s7 =	rddreg [dreg:$0x0]  }
0x3: {  	s4 =	rddreg [dreg:$0x1];
	s31 =	simm.s32 $0x2;
	s10 =	simm.s32 $0x0  }
0x4: {  	s14 =	simm.s32 $0x0;
	s15 =	simm.s32 $0x0;
	s11 =	simm.s32 $0x0  }
0x5: {  	s13 =	simm.s32 $0x0;
	s2 =	sand.u32 $0x1, s1;
	s3 =	sshll.u32 s0, $0x7  }
0x6: {  	s1 =	rddreg [dreg:$0x2];
	s30 =	ssub.s32 $0xC300, s3;
	s5 =	ssub.s32 $0x2, s2  }
.Ltmp0:
0x7: {  	s6 =	sshrl.u32 s30, $0xB;
	s8 =	sshrl.u32 s5, $0x1;
	(pc) =	sbr.rel .LBB1_1-.Ltmp0, $4  }
0x8: {  	_ =	strace $0x80000047;
	s6 =	sadd.s32 $0x1, s6;
	s8 =	ssub.s32 s5, s8  }
0x9: {  	s9 =	sshll.u32 s2, $0x4;
	s5 =	simm.s32 $0x1;
	s6 =	smul.u32 s6, s8  }
0xa: {  	s12 =	smov.u32 s3;
	s7 =	sadd.s32 s7, s9;
	[sflag:s5] =	ssyncpa.u1 $0x0  }
0xb: {  	s9 =	simm.s32 $0x0;
	[sflag:s31] =	ssyncpa.u1 $0x0;
	s8 =	sadd.s32 $0x1, s6  }
.LBB1_4:
0xc: {  	s21 =	simm.s32 $0x0  }
.LBB1_8:
0xd: {  	_ =	sdelay $0x3  }
0xe: {  	v6 =	vld [tilespmem:s18+$0xFFFFFFC0];
	[tilespmem:v0+s20+$0x30 ss:$0x1] =	vst.idx.msk @p0 $0xffff, v2  }
0xf: {  	v58 =	vld [tilespmem:s18+$0xFFFFFFD0];
	[tilespmem:v0+s20+$0x40 ss:$0x1] =	vst.idx.msk @p0 $0xffff, v3;
	s21 =	sadd.s32 @p0 $0x80, s21  }
0x10: {  	v59 =	vld [tilespmem:s18+$0xFFFFFFE0];
	[tilespmem:v0+s20+$0x50 ss:$0x1] =	vst.idx.msk @p0 $0xffff, v5;
	s19 =	smov.u32 @p0 s21  }
0x11: {  	v60 =	vld [tilespmem:s18+$0xFFFFFFF0];
	[tilespmem:v0+s20+$0x60 ss:$0x1] =	vst.idx.msk @p0 $0xffff, v4;
	s19 =	sand.u32 $0x3F80, s19  }
0x12: {  	v61 =	vld [tilespmem:s18+$0x0];
	[tilespmem:v0+s19+$0x70 ss:$0x1] =	vst.idx.msk $0xffff, v1  }
0x13: {  	v62 =	vld [tilespmem:s18+$0x10];
	[tilespmem:v0+s19+$0x0 ss:$0x1] =	vst.idx.msk $0xffff, v6  }
0x14: {  	v63 =	vld [tilespmem:s18+$0x20];
	[tilespmem:v0+s19+$0x10 ss:$0x1] =	vst.idx.msk $0xffff, v58  }
0x15: {  	[tilespmem:v0+s19+$0x20 ss:$0x1] =	vst.idx.msk $0xffff, v59  }
0x16: {  	[tilespmem:v0+s19+$0x30 ss:$0x1] =	vst.idx.msk $0xffff, v60  }
0x17: {  	[tilespmem:v0+s19+$0x40 ss:$0x1] =	vst.idx.msk $0xffff, v61  }
0x18: {  	[tilespmem:v0+s19+$0x50 ss:$0x1] =	vst.idx.msk $0xffff, v62  }
0x19: {  	[tilespmem:v0+s19+$0x60 ss:$0x1] =	vst.idx.msk $0xffff, v63  }
.LBB1_9:
0x1a: {  	s18 =	sand.u32 $0x1FFFFFF, s11  }
0x1b: {  	s19 =	smulhi.u32 $0x14F8B59, s18;
	_ =	sdelay $0x1  }
0x1c: {  	s19 =	sshrl.u32 s19, $0x8  }
0x1d: {  	s19 =	smul.u32 $0xC350, s19  }
0x1e: {  	s15 =	smul.u32 $0xC3500, s15  }
0x1f: {  	s18 =	ssub.s32 s18, s19  }
0x20: {  	s15 =	sadd.s32 s4, s15;
	s18 =	sshll.u32 s18, $0x4  }
0x21: {  	s15 =	sadd.s32 s18, s15  }
0x22: {  	[hbm4b:s15+s9] =	stream.linear.scatter [tilespmem:s17], [sflag:$0x2], s16, $0x38;
	[tilespmem:$0x10000] =	vst v63  }
.LBB1_10:
0x23: {  	p0 =	slt.u32 s13, $0x2  }
0x24: {  	p1 =	sgt.s32 @!p0 s14, $0xC2D0  }
0x25: {  	s15 =	smov.u32 s14;
	s16 =	sshra.s32 @!p0 s14, $0x1F;
	p1 =	por !p1, p0  }
0x26: {  	s14 =	sand.u32 @!p0 s16, s14;
	s15 =	simm.s32 @p1 $0xC2D0  }
0x27: {  	s14 =	ssub.s32 @!p0 s15, s14  }
0x28: {  	s14 =	sadd.s32 @!p0 $0xFFFF3D30, s14  }
0x29: {  	s15 =	sshll.u32 @!p0 s14, $0x7  }
0x2a: {  	p1 =	sgt.s32 @!p0 s14, $0x7F;
	s14 =	ssub.s32 @!p0 $0x4000, s15  }
0x2b: {  	s16 =	sadd.s32 $0x800, s12;
	p1 =	por !p1, p0;
	s14 =	sand.u32 @!p0 $0x3FFFFF80, s14  }
0x2c: {  	s14 =	simm.s32 @!p1 $0x0;
	p1 =	sgt.s32 s16, $0xC34F  }
0x2d: {  	s16 =	smov.u32 @p1 s3;
	p1 =	sne.s32 s13, s8  }
.Ltmp1:
0x2e: {  	_ = 	snop;
	(pc) =	sbr.rel @!p1 .LBB1_11-.Ltmp1, $4  }
0x2f: {  	s10 =	sadd.s32 $0x4000, s10;
	s15 =	simm.s32 @!p0 $0x2  }
0x30: {  	_ =	swait.ge @!p0 [sflag:s15], s14;
	s17 =	ssub.s32 @!p0 $0x0, s14;
	s14 =	smov.u32 s11  }
0x31: {  	s13 =	sadd.s32 $0x1, s13;
	s11 =	smov.u32 s12;
	[sflag:s15] =	ssyncset.done @!p0 $0x0  }
0x32: {  	s12 =	smov.u32 s16;
	[sflag:s15] =	ssyncadd.s32 @!p0 s17;
	s15 =	smov.u32 s2  }
.LBB1_1:
0x33: {  	p0 =	sge.u32 s13, s6  }
0x34: {  	p1 =	sgt.s32 @!p0 s12, $0xC2D0  }
0x35: {  	s16 =	smov.u32 s12;
	s17 =	sshra.s32 @!p0 s12, $0x1F;
	p1 =	por !p1, p0  }
0x36: {  	s17 =	sand.u32 @!p0 s17, s12;
	s16 =	simm.s32 @p1 $0xC2D0  }
0x37: {  	s16 =	ssub.s32 @!p0 s16, s17  }
0x38: {  	s31 =	sadd.s32 $0xFFFFFFFF, s13;
	s18 =	sxor.u32 @!p0 $0xFFFFFFFF, s13;
	s16 =	sadd.s32 @!p0 $0xFFFF3D30, s16  }
0x39: {  	s19 =	simm.s32 @!p0 $0x80;
	s20 =	simm.s32 @!p0 $0x100;
	s17 =	sshll.u32 @!p0 s16, $0x7  }
0x3a: {  	p1 =	sgt.s32 @!p0 s16, $0x7F;
	s16 =	ssub.s32 @!p0 $0x4000, s17;
	s17 =	sshll.u32 @!p0 s18, $0xE  }
0x3b: {  	p1 =	por !p1, p0;
	s18 =	sshll.u32 @!p0 s12, $0x5;
	s16 =	sand.u32 @!p0 $0x3FFFFF80, s16  }
0x3c: {  	s17 =	sand.u32 @!p0 $0x4000, s17;
	s18 =	sadd.s32 @!p0 s18, s7;
	s16 =	simm.s32 @!p1 $0x0  }
0x3d: {  	[tilespmem:s17], [sflag:$0x1] =	stream.strided.gather @!p0 [hbm4b:s18+s19], s16, s20, s19, $0x38;
	[tilespmem:$0x10000] =	vst v63  }
0x3e: {  	p0 =	sge.u32 s31, s6  }
.Ltmp2:
0x3f: {  	_ = 	snop;
	(pc) =	sbr.rel @p0 .LBB1_10-.Ltmp2, $1  }
0x40: {  	_ =	sdelay $0x3  }
0x41: {  	p0 =	sgt.s32 s11, $0xC2D0;
	s16 =	smov.u32 s11;
	s17 =	sshra.s32 s11, $0x1F  }
0x42: {  	s16 =	simm.s32 @!p0 $0xC2D0;
	s17 =	sand.u32 s17, s11  }
0x43: {  	s16 =	ssub.s32 s16, s17  }
0x44: {  	s16 =	sadd.s32 $0xFFFF3D30, s16  }
0x45: {  	s30 =	sshll.u32 s16, $0x7  }
0x46: {  	s17 =	ssub.s32 $0x4000, s30  }
0x47: {  	p0 =	sgt.s32 s16, $0x7F;
	s16 =	sand.u32 $0x3FFFFF80, s17;
	s17 =	sadd.s32 $0x80, s11  }
0x48: {  	s16 =	simm.s32 @p0 $0x0;
	p0 =	slt.s32 s17, $0xC350  }
0x49: {  	s17 =	simm.s32 @!p0 $0xC350  }
0x4a: {  	s20 =	ssub.s32 s17, s11  }
0x4b: {  	p0 =	slt.s32 s20, $0x1  }
.Ltmp3:
0x4c: {  	_ = 	snop;
	(pc) =	sbr.rel @p0 .LBB1_9-.Ltmp3, $4  }
0x4d: {  	_ = 	snop  }
0x4e: {  	s19 =	sshll.u32 s13, $0xE;
	_ =	swait.ge [sflag:s5], s16  }
0x4f: {  	s31 =	sand.u32 $0x4000, s19;
	s18 =	ssub.s32 $0x0, s16;
	[sflag:s5] =	ssyncset.done $0x0  }
0x50: {  	s17 =	sor.u32 $0x8000, s31;
	[sflag:s5] =	ssyncadd.s32 s18  }
0x51: {  	p1 =	sne.s32 s20, $0x1  }
.Ltmp4:
0x52: {  	v0 =	vmov s17;
	(pc) =	sbr.rel @!p1 .LBB1_4-.Ltmp4, $4  }
0x53: {  	_ = 	snop  }
0x54: {  	s18 =	sand.u32 $0x4000, s10  }
0x55: {  	s18 =	sor.u32 $0x40, s18  }
0x56: {  	s19 =	simm.s32 $0x0;
	s21 =	sadd.s32 $0xFFFFFFFF, s20;
	p0 =	por $0x0, $0x0;
	v1 =	vld [tilespmem:s18+$0x30]  }
0x57: {  	v4 =	vld [tilespmem:s18+$0xFFFFFFC0]  }
0x58: {  	v6 =	vld [tilespmem:s18+$0xFFFFFFD0]  }
0x59: {  	v7 =	vld [tilespmem:s18+$0xFFFFFFE0];
	p1 =	sne.s32 s21, $0x1  }
.Ltmp5:
0x5a: {  	v2 =	vld [tilespmem:s18+$0xFFFFFFF0];
	s20 =	sand.u32 $0x3F80, s19;
	(pc) =	sbr.rel @!p1 .LBB1_6-.Ltmp5, $4  }
0x5b: {  	v3 =	vld [tilespmem:s18+$0x0];
	[tilespmem:v0+s20+$0x70 ss:$0x1] =	vst.idx.msk $0xffff, v1  }
0x5c: {  	v5 =	vld [tilespmem:s18+$0x10];
	[tilespmem:v0+s20+$0x0 ss:$0x1] =	vst.idx.msk $0xffff, v4  }
0x5d: {  	v4 =	vld [tilespmem:s18+$0x20];
	[tilespmem:v0+s20+$0x10 ss:$0x1] =	vst.idx.msk $0xffff, v6;
	s18 =	sadd.s32 $0x80, s18  }
0x5e: {  	s22 =	sadd.s32 $0xFFFFFFFF, s21;
	p0 =	por $0x1, $0x1;
	s21 =	simm.s32 $0x0;
	[tilespmem:v0+s20+$0x20 ss:$0x1] =	vst.idx.msk $0xffff, v7;
	v1 =	vld [tilespmem:s18+$0x30]  }
.LBB1_7:
0x5f: {  	p1 =	sne.s32 s22, $0x1;
	v6 =	vld [tilespmem:s18+$0xFFFFFFC0];
	[tilespmem:v0+s20+$0x30 ss:$0x1] =	vst.idx.msk $0xffff, v2  }
0x60: {  	v7 =	vld [tilespmem:s18+$0xFFFFFFD0];
	[tilespmem:v0+s20+$0x40 ss:$0x1] =	vst.idx.msk $0xffff, v3  }
0x61: {  	s21 =	sadd.s32 $0x80, s21;
	v8 =	vld [tilespmem:s18+$0xFFFFFFE0];
	[tilespmem:v0+s20+$0x50 ss:$0x1] =	vst.idx.msk $0xffff, v5  }
.Ltmp6:
0x62: {  	v2 =	vld [tilespmem:s18+$0xFFFFFFF0];
	[tilespmem:v0+s20+$0x60 ss:$0x1] =	vst.idx.msk $0xffff, v4;
	s20 =	sand.u32 $0x3F80, s21;
	(pc) =	sbr.rel @p1 .LBB1_7-.Ltmp6, $4  }
0x63: {  	v3 =	vld [tilespmem:s18+$0x0];
	[tilespmem:v0+s20+$0x70 ss:$0x1] =	vst.idx.msk $0xffff, v1  }
0x64: {  	[tilespmem:v0+s20+$0x0 ss:$0x1] =	vst.idx.msk $0xffff, v6;
	v5 =	vld [tilespmem:s18+$0x10]  }
0x65: {  	[tilespmem:v0+s20+$0x10 ss:$0x1] =	vst.idx.msk $0xffff, v7;
	v4 =	vld [tilespmem:s18+$0x20];
	s18 =	sadd.s32 $0x80, s18  }
0x66: {  	s22 =	sadd.s32 $0xFFFFFFFF, s22;
	v1 =	vld [tilespmem:s18+$0x30];
	[tilespmem:v0+s20+$0x20 ss:$0x1] =	vst.idx.msk $0xffff, v8  }
.Ltmp7:
0x67: {  	_ = 	snop;
	(pc) =	sbr.rel .LBB1_8-.Ltmp7, $1  }
0x68: {  	_ =	sdelay $0x3  }
.LBB1_6:
.Ltmp8:
0x69: {  	(pc) =	sbr.rel .LBB1_8-.Ltmp8, $2  }
0x6a: {  	_ =	sdelay $0x2  }
0x6b: {  	s21 =	simm.s32 $0x0  }
.LBB1_11:
0x6c: {  	_ =	sfence.sel $0x180000  }
0x6d: {  	s2 =	simm.s32 $0x1;
	[bflag:$0x0] =	sbarrier.arrive $0xFFFF  }
0x6e: {  	s31 =	simm.s32 $0x2;
	[sflag:s2] =	ssyncpa.u1 $0x1  }
0x6f: {  	[sflag:s31] =	ssyncpa.u1 $0x1  }
0x70: {  	p0 =	sne.s32 s0, $0x0;
	_ =	strace $0x90000047  }
0x71: {  	s0 =	sadd.s32 @!p0 $0x100000, s1;
	[bflag:$0x2] =	sbarrier.arrive $0xFFFF  }
0x72: {  	[sflag:s0] =	ssyncadd.tile.s32 @!p0 $0x1;
	_ =	shalt  }
.Lfunc_end1:
_tile_overlayer_lowered:
.L_overlay_start_2:
0x73: {  	(tag) =	ssettag $0x2  }
0x74: {  	s0 =	rddreg [dreg:$0x0];
	s2 =	stileid.u32  }
0x75: {  	s1 =	rddreg [dreg:$0x1];
	p0 =	sne.s32 s2, $0x0  }
0x76: {  	s3 =	rddreg [dreg:$0x2];
	[bflag:$0x3] =	sbarrier.arrive $0xFFFF;
	s2 =	simm.s32 @!p0 $0x1C01  }
0x77: {  	[timem:s3], [sflag:s2] =	dma.local @!p0 [hbm:s0], s1  }
0x78: {  	s0 =	simm.s32 @!p0 $0x1  }
0x79: {  	_ =	swait.ge @!p0 [sflag:s0], s1  }
0x7a: {  	s1 =	ssub.s32 @!p0 $0x0, s1;
	[sflag:s0] =	ssyncset.done @!p0 $0x0  }
0x7b: {  	[sflag:s0] =	ssyncadd.s32 @!p0 s1  }
0x7c: {  	[bflag:$0x3] =	sbarrier.arrive $0xFFFF  }
0x7d: {  	_ =	shalt  }

</sc_bundles>
